<compile_context>
chip_gen: v7x
topology: tpu7x:2x2x1
jax: 0.10.2.dev20260603
libtpu: 0.0.44.dev20260713+nightly
codegen_flags: <defaults>
</compile_context>

<pallas_src>
import functools

import jax
import jax.numpy as jnp
from jax import lax
from jax.experimental import pallas as pl
from jax.experimental.pallas import tpu as pltpu
from jax.experimental.pallas import tpu_sc as plsc


def _sc_geometry():
    try:
        info = plsc.get_sparse_core_info()
        return info.num_cores, info.num_subcores
    except Exception:
        return 2, 16


def _pack_pair(lo_f32, hi_f32):
    lo = lax.bitcast_convert_type(
        lo_f32.astype(jnp.bfloat16).astype(jnp.float32), jnp.int32)
    hi = lax.bitcast_convert_type(
        hi_f32.astype(jnp.bfloat16).astype(jnp.float32), jnp.int32)
    return lax.shift_right_logical(lo, 16) | (hi & jnp.int32(-65536))


def _unpack_pair(u):
    lo = lax.bitcast_convert_type(u << 16, jnp.float32)
    hi = lax.bitcast_convert_type(u & jnp.int32(-65536), jnp.float32)
    return lo, hi


def _tables_body(x_ref, w1f_ref, w1c_ref, w2f_ref, w2c_ref, p1_ref, p2_ref):
    xb = x_ref[...]
    p1f = jnp.dot(xb, w1f_ref[...], preferred_element_type=jnp.float32)
    p1c = jnp.dot(xb, w1c_ref[...], preferred_element_type=jnp.float32)
    p2f = jnp.dot(xb, w2f_ref[...], preferred_element_type=jnp.float32)
    p2c = jnp.dot(xb, w2c_ref[...], preferred_element_type=jnp.float32)
    p1_ref[...] = _pack_pair(p1f, p1c)
    p2_ref[...] = _pack_pair(p2f, p2c)


def _node_tables(x, w1f, w1c, w2f, w2c, bn):
    n, f = x.shape
    h = w1f.shape[1]
    wspec = pl.BlockSpec((f, h), lambda i: (0, 0))
    return pl.pallas_call(
        _tables_body,
        grid=(n // bn,),
        in_specs=[pl.BlockSpec((bn, f), lambda i: (i, 0))] + [wspec] * 4,
        out_specs=[
            pl.BlockSpec((bn, h), lambda i: (i, 0)),
            pl.BlockSpec((bn, h), lambda i: (i, 0)),
        ],
        out_shape=[
            jax.ShapeDtypeStruct((n, h), jnp.int32),
            jax.ShapeDtypeStruct((n, h), jnp.int32),
        ],
    )(x, w1f, w1c, w2f, w2c)


def _edge_gather(p1, p2, src, dst, chunk):
    e = src.shape[0]
    d = p1.shape[1]
    nc, ns = _sc_geometry()
    nw = nc * ns
    epw = e // nw
    n_chunks = epw // chunk
    mesh = plsc.VectorSubcoreMesh(core_axis_name="c", subcore_axis_name="s")

    assert n_chunks % 2 == 1

    @functools.partial(
        pl.kernel,
        out_type=[
            jax.ShapeDtypeStruct((e, d), jnp.int32),
            jax.ShapeDtypeStruct((e, d), jnp.int32),
        ],
        mesh=mesh,
        scratch_types=[
            pltpu.VMEM((epw,), jnp.int32),
            pltpu.VMEM((epw,), jnp.int32),
            [pltpu.VMEM((chunk, d), jnp.int32)] * 2,
            [pltpu.VMEM((chunk, d), jnp.int32)] * 2,
            [pltpu.SemaphoreType.DMA] * 2,
            [pltpu.SemaphoreType.DMA] * 2,
            [pltpu.SemaphoreType.DMA] * 2,
            [pltpu.SemaphoreType.DMA] * 2,
        ],
    )
    def gather_k(p1_hbm, p2_hbm, src_hbm, dst_hbm, ga_hbm, gb_hbm,
                 srcs_v, dsts_v, ra, rb, sa, sb, soa, sob):
        wid = lax.axis_index("s") * nc + lax.axis_index("c")
        base = wid * epw

        pltpu.sync_copy(src_hbm.at[pl.ds(base, epw)], srcs_v)
        pltpu.sync_copy(dst_hbm.at[pl.ds(base, epw)], dsts_v)

        def fire(c, b):
            pltpu.async_copy(
                p1_hbm.at[srcs_v.at[pl.ds(c * chunk, chunk)]], ra[b], sa[b])
            pltpu.async_copy(
                p2_hbm.at[dsts_v.at[pl.ds(c * chunk, chunk)]], rb[b], sb[b])

        def wait_gather(b):
            pltpu.make_async_copy(
                p1_hbm.at[srcs_v.at[pl.ds(0, chunk)]], ra[b], sa[b]).wait()
            pltpu.make_async_copy(
                p2_hbm.at[dsts_v.at[pl.ds(0, chunk)]], rb[b], sb[b]).wait()

        def wait_out(b):
            pltpu.make_async_copy(
                ra[b], ga_hbm.at[pl.ds(base, chunk)], soa[b]).wait()
            pltpu.make_async_copy(
                rb[b], gb_hbm.at[pl.ds(base, chunk)], sob[b]).wait()

        def put(c, b):
            off = pl.ds(base + c * chunk, chunk)
            pltpu.async_copy(ra[b], ga_hbm.at[off], soa[b])
            pltpu.async_copy(rb[b], gb_hbm.at[off], sob[b])

        fire(0, 0)
        n_outer = n_chunks // 2

        def outer(j2, carry):
            for b in range(2):
                c = j2 * 2 + b
                if b == 0:
                    @pl.when(j2 > 0)
                    def _():
                        wait_out(1)
                    fire(c + 1, 1)
                else:
                    wait_out(0)
                    fire(c + 1, 0)

                wait_gather(b)
                put(c, b)
            return carry

        lax.fori_loop(0, n_outer, outer, 0)
        wait_gather(0)
        wait_out(1)
        put(n_chunks - 1, 0)
        wait_out(0)

    return gather_k(p1, p2, src, dst)


def _stats_body(ga_ref, gb_ref, attr_ref, w3f_ref, w3c_ref, sumf_ref, sqf_ref,
                sumc_ref, sqc_ref):
    ab = attr_ref[...]
    e3f = jnp.dot(ab, w3f_ref[...], preferred_element_type=jnp.float32)
    e3c = jnp.dot(ab, w3c_ref[...], preferred_element_type=jnp.float32)
    af, ac = _unpack_pair(ga_ref[...])
    bf, bc = _unpack_pair(gb_ref[...])
    gf = af + bf + e3f
    gc = ac + bc + e3c

    @pl.when(pl.program_id(0) == 0)
    def _():
        sumf_ref[...] = jnp.zeros_like(sumf_ref)
        sqf_ref[...] = jnp.zeros_like(sqf_ref)
        sumc_ref[...] = jnp.zeros_like(sumc_ref)
        sqc_ref[...] = jnp.zeros_like(sqc_ref)

    for ref, v in ((sumf_ref, gf), (sqf_ref, gf * gf),
                   (sumc_ref, gc), (sqc_ref, gc * gc)):
        ref[...] += jnp.broadcast_to(
            jnp.sum(v, axis=0, keepdims=True), ref.shape)


def _bn1_stats(ga, gb, attr, w3f, w3c, be):
    e, h = ga.shape
    fa = attr.shape[1]
    ospec = pl.BlockSpec((8, h), lambda i: (0, 0))
    oshape = jax.ShapeDtypeStruct((8, h), jnp.float32)
    return pl.pallas_call(
        _stats_body,
        grid=(e // be,),
        in_specs=[
            pl.BlockSpec((be, h), lambda i: (i, 0)),
            pl.BlockSpec((be, h), lambda i: (i, 0)),
            pl.BlockSpec((be, fa), lambda i: (i, 0)),
            pl.BlockSpec((fa, h), lambda i: (0, 0)),
            pl.BlockSpec((fa, h), lambda i: (0, 0)),
        ],
        out_specs=[ospec] * 4,
        out_shape=[oshape] * 4,
    )(ga, gb, attr, w3f, w3c)


def _msg_body(ga_ref, gb_ref, attr_ref, w3f_ref, w3c_ref, scf_ref, shf_ref,
              scc_ref, shc_ref, msg_ref):
    ab = attr_ref[...]
    e3f = jnp.dot(ab, w3f_ref[...], preferred_element_type=jnp.float32)
    e3c = jnp.dot(ab, w3c_ref[...], preferred_element_type=jnp.float32)
    af, ac = _unpack_pair(ga_ref[...])
    bf, bc = _unpack_pair(gb_ref[...])
    zf = (af + bf + e3f) * scf_ref[0:1, :] + shf_ref[0:1, :]
    zc = (ac + bc + e3c) * scc_ref[0:1, :] + shc_ref[0:1, :]
    msg_ref[...] = jax.nn.sigmoid(zf) * jax.nn.softplus(zc)


def _messages(ga, gb, attr, w3f, w3c, scf, shf, scc, shc, be):
    e, h = ga.shape
    fa = attr.shape[1]
    vspec = pl.BlockSpec((8, h), lambda i: (0, 0))
    return pl.pallas_call(
        _msg_body,
        grid=(e // be,),
        in_specs=[
            pl.BlockSpec((be, h), lambda i: (i, 0)),
            pl.BlockSpec((be, h), lambda i: (i, 0)),
            pl.BlockSpec((be, fa), lambda i: (i, 0)),
            pl.BlockSpec((fa, h), lambda i: (0, 0)),
            pl.BlockSpec((fa, h), lambda i: (0, 0)),
            vspec, vspec, vspec, vspec,
        ],
        out_specs=pl.BlockSpec((be, h), lambda i: (i, 0)),
        out_shape=jax.ShapeDtypeStruct((e, h), jnp.float32),
    )(ga, gb, attr, w3f, w3c, scf, shf, scc, shc)


def _scatter_nodes(msg, src, zeros_tbl, chunk):
    e = src.shape[0]
    n, h = zeros_tbl.shape
    nc, ns = _sc_geometry()
    nw = nc * ns
    epw = e // nw
    n_chunks = epw // chunk
    rows_per_tile = n // ns
    mesh = plsc.VectorSubcoreMesh(core_axis_name="c", subcore_axis_name="s")

    assert n_chunks % 2 == 1

    @functools.partial(
        pl.kernel,
        out_type=jax.ShapeDtypeStruct((nc * n, h), jnp.float32),
        mesh=mesh,
        scratch_types=[
            [pltpu.VMEM((chunk,), jnp.int32)] * 2,
            [pltpu.VMEM((chunk, h), jnp.float32)] * 2,
            pltpu.VMEM_SHARED((n, h), jnp.float32),
            [pltpu.SemaphoreType.DMA] * 2,
            [pltpu.SemaphoreType.DMA] * 2,
            [pltpu.SemaphoreType.DMA] * 2,
        ],
    )
    def scatter_k(msg_hbm, src_hbm, zero_hbm, out_hbm, idx_v, rows_v, accum_sh,
                  si, sm, ss):
        cid = lax.axis_index("c")
        sid = lax.axis_index("s")
        wid = sid * nc + cid
        base = wid * epw
        r0 = sid * rows_per_tile

        pltpu.sync_copy(zero_hbm.at[pl.ds(r0, rows_per_tile)],
                        accum_sh.at[pl.ds(r0, rows_per_tile)])
        plsc.subcore_barrier()

        def fire_loads(c, b):
            off = base + c * chunk
            pltpu.async_copy(src_hbm.at[pl.ds(off, chunk)], idx_v[b], si[b])
            pltpu.async_copy(msg_hbm.at[pl.ds(off, chunk)], rows_v[b], sm[b])

        def wait_loads(b):
            pltpu.make_async_copy(
                src_hbm.at[pl.ds(base, chunk)], idx_v[b], si[b]).wait()
            pltpu.make_async_copy(
                msg_hbm.at[pl.ds(base, chunk)], rows_v[b], sm[b]).wait()

        def fire_scat(b):
            pltpu.async_copy(rows_v[b], accum_sh.at[idx_v[b]], ss[b],
                             add=True)

        def wait_scat(b):
            pltpu.make_async_copy(
                rows_v[b], accum_sh.at[idx_v[b]], ss[b]).wait()

        fire_loads(0, 0)
        n_outer = n_chunks // 2

        def outer(j2, carry):
            for b in range(2):
                c = j2 * 2 + b
                if b == 0:
                    @pl.when(j2 > 0)
                    def _():
                        wait_scat(1)
                    fire_loads(c + 1, 1)
                else:
                    wait_scat(0)
                    fire_loads(c + 1, 0)

                wait_loads(b)
                fire_scat(b)
            return carry

        lax.fori_loop(0, n_outer, outer, 0)
        wait_loads(0)
        wait_scat(1)
        fire_scat(0)
        wait_scat(0)
        plsc.subcore_barrier()

        pltpu.sync_copy(accum_sh.at[pl.ds(r0, rows_per_tile)],
                        out_hbm.at[pl.ds(cid * n + r0, rows_per_tile)])

    return scatter_k(msg, src, zeros_tbl)


def _bn2_body(p_ref, g2_ref, b2_ref, o_ref):
    n = o_ref.shape[0]
    npad = p_ref.shape[0] // 2
    s = (p_ref[:n, :].astype(jnp.float32)
         + p_ref[npad:npad + n, :].astype(jnp.float32))
    mu = jnp.mean(s, axis=0, keepdims=True)
    var = jnp.mean(s * s, axis=0, keepdims=True) - mu * mu
    inv = g2_ref[0:1, :] * lax.rsqrt(var + 1e-5)
    o_ref[...] = (s - mu) * inv + b2_ref[0:1, :]


def _bn2(parts, gamma2, beta2, n):
    n2, h = parts.shape
    return pl.pallas_call(
        _bn2_body,
        in_specs=[
            pl.BlockSpec((n2, h), lambda: (0, 0)),
            pl.BlockSpec((8, h), lambda: (0, 0)),
            pl.BlockSpec((8, h), lambda: (0, 0)),
        ],
        out_specs=pl.BlockSpec((n, h), lambda: (0, 0)),
        out_shape=jax.ShapeDtypeStruct((n, h), jnp.float32),
    )(parts, gamma2, beta2)


def kernel(x, edge_index, edge_attr, W, b, gamma1, beta1, gamma2, beta2):
    n, f = x.shape
    e = edge_index.shape[1]
    d = W.shape[1]
    half = d // 2

    w1f, w1c = W[:f, :half], W[:f, half:]
    w2f, w2c = W[f:2 * f, :half], W[f:2 * f, half:]
    w3f, w3c = W[2 * f:, :half], W[2 * f:, half:]
    src = edge_index[0].astype(jnp.int32)
    dst = edge_index[1].astype(jnp.int32)

    p1, p2 = _node_tables(x, w1f, w1c, w2f, w2c, bn=1000)
    ga, gb = _edge_gather(p1, p2, src, dst, chunk=80)

    sumf, sqf, sumc, sqc = _bn1_stats(ga, gb, edge_attr, w3f, w3c, be=8000)
    muf, muc = sumf[0] / e, sumc[0] / e
    varf = sqf[0] / e - muf * muf
    varc = sqc[0] / e - muc * muc
    scf = gamma1[:half] * lax.rsqrt(varf + 1e-5)
    shf = beta1[:half] - muf * scf
    scc = gamma1[half:] * lax.rsqrt(varc + 1e-5)
    shc = beta1[half:] - muc * scc
    bcast = lambda v: jnp.broadcast_to(v[None, :], (8, half))

    msg = _messages(ga, gb, edge_attr, w3f, w3c, bcast(scf), bcast(shf),
                    bcast(scc), bcast(shc), be=8000)

    npad = ((n + 255) // 256) * 256
    zeros_tbl = jnp.zeros((npad, half), jnp.float32)
    parts = _scatter_nodes(msg, src, zeros_tbl, chunk=80)

    g2 = jnp.broadcast_to(gamma2[None, :], (8, half))
    b2 = jnp.broadcast_to(beta2[None, :], (8, half))
    return _bn2(parts, g2, b2, n)

# --- scband reference (transcript-rebuilt; emitter-appended) ---
"""Pipeline reference for scband-cgconv-17918603558964 (READ-ONLY COPY).

The authoritative reference and input builder live on the scoring server;
editing this copy changes nothing except your own understanding.
"""

import jax, jax.numpy as jnp
import numpy as np

N_NODES = 10000
N_EDGES = 320000
ATOM_FEA = 128
NBR_FEA = 16


def setup_inputs(seed: int = 0) -> dict:
    key = jax.random.key(seed)
    k = jax.random.split(key, 10)
    x = jax.random.normal(k[0], (N_NODES, ATOM_FEA), dtype=jnp.float32)
    edge_index = jax.random.randint(k[1], (2, N_EDGES), 0, N_NODES, dtype=jnp.int64 if jax.config.jax_enable_x64 else jnp.int32)
    edge_attr = jax.random.normal(k[2], (N_EDGES, NBR_FEA), dtype=jnp.float32)
    in_dim = 2 * ATOM_FEA + NBR_FEA
    out_dim = 2 * ATOM_FEA
    bound = 1.0 / np.sqrt(in_dim)
    W = jax.random.uniform(k[3], (in_dim, out_dim), minval=-bound, maxval=bound, dtype=jnp.float32)
    b = jax.random.uniform(k[4], (out_dim,), minval=-bound, maxval=bound, dtype=jnp.float32)
    gamma1 = jnp.ones((out_dim,), dtype=jnp.float32)
    beta1 = jnp.zeros((out_dim,), dtype=jnp.float32)
    gamma2 = jnp.ones((ATOM_FEA,), dtype=jnp.float32)
    beta2 = jnp.zeros((ATOM_FEA,), dtype=jnp.float32)
    return {"x": x, "edge_index": edge_index, "edge_attr": edge_attr, "W": W, "b": b,
            "gamma1": gamma1, "beta1": beta1, "gamma2": gamma2, "beta2": beta2}


def _batchnorm(z, gamma, beta, eps=1e-5):
    mu = jnp.mean(z, axis=0)
    var = jnp.var(z, axis=0)
    return (z - mu) / jnp.sqrt(var + eps) * gamma + beta


def reference(x, edge_index, edge_attr, W, b, gamma1, beta1, gamma2, beta2):
    xi = jnp.take(x, edge_index[0], axis=0)
    xj = jnp.take(x, edge_index[1], axis=0)
    total_nbr_fea = jnp.concatenate([xi, xj, edge_attr], axis=-1)
    total_gated_fea = total_nbr_fea @ W + b
    total_gated_fea = _batchnorm(total_gated_fea, gamma1, beta1)
    nbr_filter, nbr_core = jnp.split(total_gated_fea, 2, axis=-1)
    nbr_filter = jax.nn.sigmoid(nbr_filter)
    nbr_core = jax.nn.softplus(nbr_core)
    nbr_message = nbr_filter * nbr_core
    nbr_sumed = jax.ops.segment_sum(nbr_message, edge_index[0], num_segments=x.shape[0])
    nbr_sumed = _batchnorm(nbr_sumed, gamma2, beta2)
    return nbr_sumed

if __name__ == "__main__":
    import jax
    _d = setup_inputs()
    print(jax.jit(kernel)(*tuple(_d.values())))

</pallas_src>

<mosaic_0001>
#map = affine_map<(d0, d1) -> (0, 0)>
#map1 = affine_map<(d0, d1) -> (0)>
module attributes {stable_mosaic.version = 14 : i64} {
  func.func @scatter_k(%arg0: i32, %arg1: i32, %arg2: memref<320000x128xf32, #tpu.memory_space<hbm>>, %arg3: memref<320000xi32, #tpu.memory_space<hbm>>, %arg4: memref<10240x128xf32, #tpu.memory_space<hbm>>, %arg5: memref<20480x128xf32, #tpu.memory_space<hbm>>, %arg6: memref<80xi32, #tpu.memory_space<vmem>>, %arg7: memref<80xi32, #tpu.memory_space<vmem>>, %arg8: memref<80x128xf32, #tpu.memory_space<vmem>>, %arg9: memref<80x128xf32, #tpu.memory_space<vmem>>, %arg10: memref<10240x128xf32, #tpu.memory_space<vmem_shared>>, %arg11: memref<!tpu.dma_semaphore, #tpu.memory_space<semaphore_mem>>, %arg12: memref<!tpu.dma_semaphore, #tpu.memory_space<semaphore_mem>>, %arg13: memref<!tpu.dma_semaphore, #tpu.memory_space<semaphore_mem>>, %arg14: memref<!tpu.dma_semaphore, #tpu.memory_space<semaphore_mem>>, %arg15: memref<!tpu.dma_semaphore, #tpu.memory_space<semaphore_mem>>, %arg16: memref<!tpu.dma_semaphore, #tpu.memory_space<semaphore_mem>>) attributes {dimension_semantics = [#tpu.dimension_semantics<core_parallel>, #tpu.dimension_semantics<subcore_parallel>], iteration_bounds = array<i64: 2, 16>, scalar_prefetch = 0 : i64, scratch_operands = 11 : i64, tpu.core_type = #tpu.core_type<sc_vector_subcore>, window_params = [{transform_indices = #map}, {transform_indices = #map1}, {transform_indices = #map}, {transform_indices = #map}]} {
    %mul3A = arith.constant 2 : i32
    %mul3A_0 = arith.muli %arg1, %mul3A : i32
    %add3A = arith.addi %mul3A_0, %arg0 : i32
    %mul3A_1 = arith.constant 10000 : i32
    %mul3A_2 = arith.muli %add3A, %mul3A_1 : i32
    %mul3A_3 = arith.constant 640 : i32
    %mul3A_4 = arith.muli %arg1, %mul3A_3 : i32
    "tpu.region"() ({
      %run_scoped3A = tpu.sem_alloc : memref<!tpu.dma_semaphore, #tpu.memory_space<semaphore_mem>>
      %dma_start3A_35 = arith.constant 0 : i32
      %dma_start3A_36 = tpu.memref_slice %arg10[%mul3A_4, %dma_start3A_35] : memref<10240x128xf32, #tpu.memory_space<vmem_shared>> -> memref<640x128xf32, #tpu.memory_space<vmem_shared>>
      %dma_start3A_37 = arith.constant 0 : i32
      %dma_start3A_38 = tpu.memref_slice %arg4[%mul3A_4, %dma_start3A_37] : memref<10240x128xf32, #tpu.memory_space<hbm>> -> memref<640x128xf32, #tpu.memory_space<hbm>>
      tpu.enqueue_dma source(%dma_start3A_38 : memref<640x128xf32, #tpu.memory_space<hbm>>) target(%dma_start3A_36 : memref<640x128xf32, #tpu.memory_space<vmem_shared>>) target_semaphore(%run_scoped3A : memref<!tpu.dma_semaphore, #tpu.memory_space<semaphore_mem>>)
      %dma_wait3A_39 = arith.constant 0 : i32
      %dma_wait3A_40 = tpu.memref_slice %arg10[%mul3A_4, %dma_wait3A_39] : memref<10240x128xf32, #tpu.memory_space<vmem_shared>> -> memref<640x128xf32, #tpu.memory_space<vmem_shared>>
      %dma_wait3A_41 = arith.constant 0 : i32
      %dma_wait3A_42 = tpu.memref_slice %arg4[%mul3A_4, %dma_wait3A_41] : memref<10240x128xf32, #tpu.memory_space<hbm>> -> memref<640x128xf32, #tpu.memory_space<hbm>>
      tpu.wait_dma2 semaphore(%run_scoped3A : memref<!tpu.dma_semaphore, #tpu.memory_space<semaphore_mem>>) src(%dma_wait3A_42 : memref<640x128xf32, #tpu.memory_space<hbm>>) dst(%dma_wait3A_40 : memref<640x128xf32, #tpu.memory_space<vmem_shared>>)
      tpu.yield
    }) : () -> ()
    %barrier3A = arith.constant 0 : index
    tpu.barrier barrier_id(%barrier3A)
    %add3A_5 = arith.constant 0 : i32
    %add3A_6 = arith.addi %mul3A_2, %add3A_5 : i32
    %dma_start3A = tpu.memref_slice %arg3[%add3A_6] : memref<320000xi32, #tpu.memory_space<hbm>> -> memref<80xi32, #tpu.memory_space<hbm>>
    %dma_start3A_7 = tpu.memref_slice %arg3[%add3A_6] : memref<320000xi32, #tpu.memory_space<hbm>> -> memref<80xi32, #tpu.memory_space<hbm>>
    tpu.enqueue_dma source(%dma_start3A_7 : memref<80xi32, #tpu.memory_space<hbm>>) target(%arg6 : memref<80xi32, #tpu.memory_space<vmem>>) target_semaphore(%arg11 : memref<!tpu.dma_semaphore, #tpu.memory_space<semaphore_mem>>)
    %dma_start3A_8 = arith.constant 0 : i32
    %dma_start3A_9 = tpu.memref_slice %arg2[%add3A_6, %dma_start3A_8] : memref<320000x128xf32, #tpu.memory_space<hbm>> -> memref<80x128xf32, #tpu.memory_space<hbm>>
    %dma_start3A_10 = arith.constant 0 : i32
    %dma_start3A_11 = tpu.memref_slice %arg2[%add3A_6, %dma_start3A_10] : memref<320000x128xf32, #tpu.memory_space<hbm>> -> memref<80x128xf32, #tpu.memory_space<hbm>>
    tpu.enqueue_dma source(%dma_start3A_11 : memref<80x128xf32, #tpu.memory_space<hbm>>) target(%arg8 : memref<80x128xf32, #tpu.memory_space<vmem>>) target_semaphore(%arg13 : memref<!tpu.dma_semaphore, #tpu.memory_space<semaphore_mem>>)
    %scan3A = arith.constant 0 : i32
    %scan3A_12 = arith.constant 0 : i32
    %scan3A_13 = arith.constant 62 : i32
    %scan3A_14 = arith.addi %scan3A_12, %scan3A_13 : i32
    %scan3A_15 = arith.constant 1 : i32
    scf.for %scan3A_35 = %scan3A_12 to %scan3A_14 step %scan3A_15  : i32 {
      %mul3A_36 = arith.constant 2 : i32
      %mul3A_37 = arith.muli %scan3A_35, %mul3A_36 : i32
      %add3A_38 = arith.constant 0 : i32
      %add3A_39 = arith.addi %mul3A_37, %add3A_38 : i32
      %gt3A = arith.constant 0 : i32
      %gt3A_40 = arith.cmpi sgt, %scan3A_35, %gt3A : i32
      %convert_element_type3A = arith.extui %gt3A_40 : i1 to i32
      %cond3A = arith.constant 0 : i32
      %cond3A_41 = arith.cmpi ne, %convert_element_type3A, %cond3A : i32
      scf.if %cond3A_41 {
        %dma_wait3A_89 = arith.constant 0 : i32
        %dma_wait3A_90 = arith.constant 0 : i32
        %dma_wait3A_91 = tpu.memref_slice %arg10[%dma_wait3A_89, %dma_wait3A_90] : memref<10240x128xf32, #tpu.memory_space<vmem_shared>> -> memref<10240x128xf32, #tpu.memory_space<vmem_shared>>
        tpu.wait_indirect_dma semaphore(%arg16 : memref<!tpu.dma_semaphore, #tpu.memory_space<semaphore_mem>>) src(%arg9 : memref<80x128xf32, #tpu.memory_space<vmem>>) dst(%dma_wait3A_91 : memref<10240x128xf32, #tpu.memory_space<vmem_shared>>)
      } else {
      }
      %add3A_42 = arith.constant 1 : i32
      %add3A_43 = arith.addi %add3A_39, %add3A_42 : i32
      %mul3A_44 = arith.constant 80 : i32
      %mul3A_45 = arith.muli %add3A_43, %mul3A_44 : i32
      %add3A_46 = arith.addi %mul3A_2, %mul3A_45 : i32
      %dma_start3A_47 = tpu.memref_slice %arg3[%add3A_46] : memref<320000xi32, #tpu.memory_space<hbm>> -> memref<80xi32, #tpu.memory_space<hbm>>
      %dma_start3A_48 = tpu.memref_slice %arg3[%add3A_46] : memref<320000xi32, #tpu.memory_space<hbm>> -> memref<80xi32, #tpu.memory_space<hbm>>
      tpu.enqueue_dma source(%dma_start3A_48 : memref<80xi32, #tpu.memory_space<hbm>>) target(%arg7 : memref<80xi32, #tpu.memory_space<vmem>>) target_semaphore(%arg12 : memref<!tpu.dma_semaphore, #tpu.memory_space<semaphore_mem>>)
      %dma_start3A_49 = arith.constant 0 : i32
      %dma_start3A_50 = tpu.memref_slice %arg2[%add3A_46, %dma_start3A_49] : memref<320000x128xf32, #tpu.memory_space<hbm>> -> memref<80x128xf32, #tpu.memory_space<hbm>>
      %dma_start3A_51 = arith.constant 0 : i32
      %dma_start3A_52 = tpu.memref_slice %arg2[%add3A_46, %dma_start3A_51] : memref<320000x128xf32, #tpu.memory_space<hbm>> -> memref<80x128xf32, #tpu.memory_space<hbm>>
      tpu.enqueue_dma source(%dma_start3A_52 : memref<80x128xf32, #tpu.memory_space<hbm>>) target(%arg9 : memref<80x128xf32, #tpu.memory_space<vmem>>) target_semaphore(%arg14 : memref<!tpu.dma_semaphore, #tpu.memory_space<semaphore_mem>>)
      %dma_wait3A_53 = tpu.memref_slice %arg3[%mul3A_2] : memref<320000xi32, #tpu.memory_space<hbm>> -> memref<80xi32, #tpu.memory_space<hbm>>
      %dma_wait3A_54 = tpu.memref_slice %arg3[%mul3A_2] : memref<320000xi32, #tpu.memory_space<hbm>> -> memref<80xi32, #tpu.memory_space<hbm>>
      tpu.wait_dma2 semaphore(%arg11 : memref<!tpu.dma_semaphore, #tpu.memory_space<semaphore_mem>>) src(%dma_wait3A_54 : memref<80xi32, #tpu.memory_space<hbm>>) dst(%arg6 : memref<80xi32, #tpu.memory_space<vmem>>)
      %dma_wait3A_55 = arith.constant 0 : i32
      %dma_wait3A_56 = tpu.memref_slice %arg2[%mul3A_2, %dma_wait3A_55] : memref<320000x128xf32, #tpu.memory_space<hbm>> -> memref<80x128xf32, #tpu.memory_space<hbm>>
      %dma_wait3A_57 = arith.constant 0 : i32
      %dma_wait3A_58 = tpu.memref_slice %arg2[%mul3A_2, %dma_wait3A_57] : memref<320000x128xf32, #tpu.memory_space<hbm>> -> memref<80x128xf32, #tpu.memory_space<hbm>>
      tpu.wait_dma2 semaphore(%arg13 : memref<!tpu.dma_semaphore, #tpu.memory_space<semaphore_mem>>) src(%dma_wait3A_58 : memref<80x128xf32, #tpu.memory_space<hbm>>) dst(%arg8 : memref<80x128xf32, #tpu.memory_space<vmem>>)
      %dma_start3A_59 = arith.constant 0 : i32
      %dma_start3A_60 = arith.constant 0 : i32
      %dma_start3A_61 = tpu.memref_slice %arg10[%dma_start3A_59, %dma_start3A_60] : memref<10240x128xf32, #tpu.memory_space<vmem_shared>> -> memref<10240x128xf32, #tpu.memory_space<vmem_shared>>
      tpu.enqueue_indirect_dma source(%arg8 : memref<80x128xf32, #tpu.memory_space<vmem>>) target(%dma_start3A_61 : memref<10240x128xf32, #tpu.memory_space<vmem_shared>>) offsets(%arg6 : memref<80xi32, #tpu.memory_space<vmem>>) semaphore(%arg15 : memref<!tpu.dma_semaphore, #tpu.memory_space<semaphore_mem>>) {add = true}
      %mul3A_62 = arith.constant 2 : i32
      %mul3A_63 = arith.muli %scan3A_35, %mul3A_62 : i32
      %add3A_64 = arith.constant 1 : i32
      %add3A_65 = arith.addi %mul3A_63, %add3A_64 : i32
      %dma_wait3A_66 = arith.constant 0 : i32
      %dma_wait3A_67 = arith.constant 0 : i32
      %dma_wait3A_68 = tpu.memref_slice %arg10[%dma_wait3A_66, %dma_wait3A_67] : memref<10240x128xf32, #tpu.memory_space<vmem_shared>> -> memref<10240x128xf32, #tpu.memory_space<vmem_shared>>
      tpu.wait_indirect_dma semaphore(%arg15 : memref<!tpu.dma_semaphore, #tpu.memory_space<semaphore_mem>>) src(%arg8 : memref<80x128xf32, #tpu.memory_space<vmem>>) dst(%dma_wait3A_68 : memref<10240x128xf32, #tpu.memory_space<vmem_shared>>)
      %add3A_69 = arith.constant 1 : i32
      %add3A_70 = arith.addi %add3A_65, %add3A_69 : i32
      %mul3A_71 = arith.constant 80 : i32
      %mul3A_72 = arith.muli %add3A_70, %mul3A_71 : i32
      %add3A_73 = arith.addi %mul3A_2, %mul3A_72 : i32
      %dma_start3A_74 = tpu.memref_slice %arg3[%add3A_73] : memref<320000xi32, #tpu.memory_space<hbm>> -> memref<80xi32, #tpu.memory_space<hbm>>
      %dma_start3A_75 = tpu.memref_slice %arg3[%add3A_73] : memref<320000xi32, #tpu.memory_space<hbm>> -> memref<80xi32, #tpu.memory_space<hbm>>
      tpu.enqueue_dma source(%dma_start3A_75 : memref<80xi32, #tpu.memory_space<hbm>>) target(%arg6 : memref<80xi32, #tpu.memory_space<vmem>>) target_semaphore(%arg11 : memref<!tpu.dma_semaphore, #tpu.memory_space<semaphore_mem>>)
      %dma_start3A_76 = arith.constant 0 : i32
      %dma_start3A_77 = tpu.memref_slice %arg2[%add3A_73, %dma_start3A_76] : memref<320000x128xf32, #tpu.memory_space<hbm>> -> memref<80x128xf32, #tpu.memory_space<hbm>>
      %dma_start3A_78 = arith.constant 0 : i32
      %dma_start3A_79 = tpu.memref_slice %arg2[%add3A_73, %dma_start3A_78] : memref<320000x128xf32, #tpu.memory_space<hbm>> -> memref<80x128xf32, #tpu.memory_space<hbm>>
      tpu.enqueue_dma source(%dma_start3A_79 : memref<80x128xf32, #tpu.memory_space<hbm>>) target(%arg8 : memref<80x128xf32, #tpu.memory_space<vmem>>) target_semaphore(%arg13 : memref<!tpu.dma_semaphore, #tpu.memory_space<semaphore_mem>>)
      %dma_wait3A_80 = tpu.memref_slice %arg3[%mul3A_2] : memref<320000xi32, #tpu.memory_space<hbm>> -> memref<80xi32, #tpu.memory_space<hbm>>
      %dma_wait3A_81 = tpu.memref_slice %arg3[%mul3A_2] : memref<320000xi32, #tpu.memory_space<hbm>> -> memref<80xi32, #tpu.memory_space<hbm>>
      tpu.wait_dma2 semaphore(%arg12 : memref<!tpu.dma_semaphore, #tpu.memory_space<semaphore_mem>>) src(%dma_wait3A_81 : memref<80xi32, #tpu.memory_space<hbm>>) dst(%arg7 : memref<80xi32, #tpu.memory_space<vmem>>)
      %dma_wait3A_82 = arith.constant 0 : i32
      %dma_wait3A_83 = tpu.memref_slice %arg2[%mul3A_2, %dma_wait3A_82] : memref<320000x128xf32, #tpu.memory_space<hbm>> -> memref<80x128xf32, #tpu.memory_space<hbm>>
      %dma_wait3A_84 = arith.constant 0 : i32
      %dma_wait3A_85 = tpu.memref_slice %arg2[%mul3A_2, %dma_wait3A_84] : memref<320000x128xf32, #tpu.memory_space<hbm>> -> memref<80x128xf32, #tpu.memory_space<hbm>>
      tpu.wait_dma2 semaphore(%arg14 : memref<!tpu.dma_semaphore, #tpu.memory_space<semaphore_mem>>) src(%dma_wait3A_85 : memref<80x128xf32, #tpu.memory_space<hbm>>) dst(%arg9 : memref<80x128xf32, #tpu.memory_space<vmem>>)
      %dma_start3A_86 = arith.constant 0 : i32
      %dma_start3A_87 = arith.constant 0 : i32
      %dma_start3A_88 = tpu.memref_slice %arg10[%dma_start3A_86, %dma_start3A_87] : memref<10240x128xf32, #tpu.memory_space<vmem_shared>> -> memref<10240x128xf32, #tpu.memory_space<vmem_shared>>
      tpu.enqueue_indirect_dma source(%arg9 : memref<80x128xf32, #tpu.memory_space<vmem>>) target(%dma_start3A_88 : memref<10240x128xf32, #tpu.memory_space<vmem_shared>>) offsets(%arg7 : memref<80xi32, #tpu.memory_space<vmem>>) semaphore(%arg16 : memref<!tpu.dma_semaphore, #tpu.memory_space<semaphore_mem>>) {add = true}
    }
    %scan3A_16 = arith.constant 62 : i32
    %dma_wait3A = tpu.memref_slice %arg3[%mul3A_2] : memref<320000xi32, #tpu.memory_space<hbm>> -> memref<80xi32, #tpu.memory_space<hbm>>
    %dma_wait3A_17 = tpu.memref_slice %arg3[%mul3A_2] : memref<320000xi32, #tpu.memory_space<hbm>> -> memref<80xi32, #tpu.memory_space<hbm>>
    tpu.wait_dma2 semaphore(%arg11 : memref<!tpu.dma_semaphore, #tpu.memory_space<semaphore_mem>>) src(%dma_wait3A_17 : memref<80xi32, #tpu.memory_space<hbm>>) dst(%arg6 : memref<80xi32, #tpu.memory_space<vmem>>)
    %dma_wait3A_18 = arith.constant 0 : i32
    %dma_wait3A_19 = tpu.memref_slice %arg2[%mul3A_2, %dma_wait3A_18] : memref<320000x128xf32, #tpu.memory_space<hbm>> -> memref<80x128xf32, #tpu.memory_space<hbm>>
    %dma_wait3A_20 = arith.constant 0 : i32
    %dma_wait3A_21 = tpu.memref_slice %arg2[%mul3A_2, %dma_wait3A_20] : memref<320000x128xf32, #tpu.memory_space<hbm>> -> memref<80x128xf32, #tpu.memory_space<hbm>>
    tpu.wait_dma2 semaphore(%arg13 : memref<!tpu.dma_semaphore, #tpu.memory_space<semaphore_mem>>) src(%dma_wait3A_21 : memref<80x128xf32, #tpu.memory_space<hbm>>) dst(%arg8 : memref<80x128xf32, #tpu.memory_space<vmem>>)
    %dma_wait3A_22 = arith.constant 0 : i32
    %dma_wait3A_23 = arith.constant 0 : i32
    %dma_wait3A_24 = tpu.memref_slice %arg10[%dma_wait3A_22, %dma_wait3A_23] : memref<10240x128xf32, #tpu.memory_space<vmem_shared>> -> memref<10240x128xf32, #tpu.memory_space<vmem_shared>>
    tpu.wait_indirect_dma semaphore(%arg16 : memref<!tpu.dma_semaphore, #tpu.memory_space<semaphore_mem>>) src(%arg9 : memref<80x128xf32, #tpu.memory_space<vmem>>) dst(%dma_wait3A_24 : memref<10240x128xf32, #tpu.memory_space<vmem_shared>>)
    %dma_start3A_25 = arith.constant 0 : i32
    %dma_start3A_26 = arith.constant 0 : i32
    %dma_start3A_27 = tpu.memref_slice %arg10[%dma_start3A_25, %dma_start3A_26] : memref<10240x128xf32, #tpu.memory_space<vmem_shared>> -> memref<10240x128xf32, #tpu.memory_space<vmem_shared>>
    tpu.enqueue_indirect_dma source(%arg8 : memref<80x128xf32, #tpu.memory_space<vmem>>) target(%dma_start3A_27 : memref<10240x128xf32, #tpu.memory_space<vmem_shared>>) offsets(%arg6 : memref<80xi32, #tpu.memory_space<vmem>>) semaphore(%arg15 : memref<!tpu.dma_semaphore, #tpu.memory_space<semaphore_mem>>) {add = true}
    %dma_wait3A_28 = arith.constant 0 : i32
    %dma_wait3A_29 = arith.constant 0 : i32
    %dma_wait3A_30 = tpu.memref_slice %arg10[%dma_wait3A_28, %dma_wait3A_29] : memref<10240x128xf32, #tpu.memory_space<vmem_shared>> -> memref<10240x128xf32, #tpu.memory_space<vmem_shared>>
    tpu.wait_indirect_dma semaphore(%arg15 : memref<!tpu.dma_semaphore, #tpu.memory_space<semaphore_mem>>) src(%arg8 : memref<80x128xf32, #tpu.memory_space<vmem>>) dst(%dma_wait3A_30 : memref<10240x128xf32, #tpu.memory_space<vmem_shared>>)
    %barrier3A_31 = arith.constant 0 : index
    tpu.barrier barrier_id(%barrier3A_31)
    %mul3A_32 = arith.constant 10240 : i32
    %mul3A_33 = arith.muli %arg0, %mul3A_32 : i32
    %add3A_34 = arith.addi %mul3A_33, %mul3A_4 : i32
    "tpu.region"() ({
      %run_scoped3A = tpu.sem_alloc : memref<!tpu.dma_semaphore, #tpu.memory_space<semaphore_mem>>
      %dma_start3A_35 = arith.constant 0 : i32
      %dma_start3A_36 = tpu.memref_slice %arg5[%add3A_34, %dma_start3A_35] : memref<20480x128xf32, #tpu.memory_space<hbm>> -> memref<640x128xf32, #tpu.memory_space<hbm>>
      %dma_start3A_37 = arith.constant 0 : i32
      %dma_start3A_38 = tpu.memref_slice %arg10[%mul3A_4, %dma_start3A_37] : memref<10240x128xf32, #tpu.memory_space<vmem_shared>> -> memref<640x128xf32, #tpu.memory_space<vmem_shared>>
      tpu.enqueue_dma source(%dma_start3A_38 : memref<640x128xf32, #tpu.memory_space<vmem_shared>>) target(%dma_start3A_36 : memref<640x128xf32, #tpu.memory_space<hbm>>) target_semaphore(%run_scoped3A : memref<!tpu.dma_semaphore, #tpu.memory_space<semaphore_mem>>)
      %dma_wait3A_39 = arith.constant 0 : i32
      %dma_wait3A_40 = tpu.memref_slice %arg5[%add3A_34, %dma_wait3A_39] : memref<20480x128xf32, #tpu.memory_space<hbm>> -> memref<640x128xf32, #tpu.memory_space<hbm>>
      %dma_wait3A_41 = arith.constant 0 : i32
      %dma_wait3A_42 = tpu.memref_slice %arg10[%mul3A_4, %dma_wait3A_41] : memref<10240x128xf32, #tpu.memory_space<vmem_shared>> -> memref<640x128xf32, #tpu.memory_space<vmem_shared>>
      tpu.wait_dma2 semaphore(%run_scoped3A : memref<!tpu.dma_semaphore, #tpu.memory_space<semaphore_mem>>) src(%dma_wait3A_42 : memref<640x128xf32, #tpu.memory_space<vmem_shared>>) dst(%dma_wait3A_40 : memref<640x128xf32, #tpu.memory_space<hbm>>)
      tpu.yield
    }) : () -> ()
    return
  }
}

#map = affine_map<(d0, d1) -> (0, 0)>
#map1 = affine_map<(d0, d1) -> (0)>
module attributes {stable_mosaic.version = 14 : i64} {
  func.func @gather_k(%arg0: i32, %arg1: i32, %arg2: memref<10000x128xi32, #tpu.memory_space<hbm>>, %arg3: memref<10000x128xi32, #tpu.memory_space<hbm>>, %arg4: memref<320000xi32, #tpu.memory_space<hbm>>, %arg5: memref<320000xi32, #tpu.memory_space<hbm>>, %arg6: memref<320000x128xi32, #tpu.memory_space<hbm>>, %arg7: memref<320000x128xi32, #tpu.memory_space<hbm>>, %arg8: memref<10000xi32, #tpu.memory_space<vmem>>, %arg9: memref<10000xi32, #tpu.memory_space<vmem>>, %arg10: memref<80x128xi32, #tpu.memory_space<vmem>>, %arg11: memref<80x128xi32, #tpu.memory_space<vmem>>, %arg12: memref<80x128xi32, #tpu.memory_space<vmem>>, %arg13: memref<80x128xi32, #tpu.memory_space<vmem>>, %arg14: memref<!tpu.dma_semaphore, #tpu.memory_space<semaphore_mem>>, %arg15: memref<!tpu.dma_semaphore, #tpu.memory_space<semaphore_mem>>, %arg16: memref<!tpu.dma_semaphore, #tpu.memory_space<semaphore_mem>>, %arg17: memref<!tpu.dma_semaphore, #tpu.memory_space<semaphore_mem>>, %arg18: memref<!tpu.dma_semaphore, #tpu.memory_space<semaphore_mem>>, %arg19: memref<!tpu.dma_semaphore, #tpu.memory_space<semaphore_mem>>, %arg20: memref<!tpu.dma_semaphore, #tpu.memory_space<semaphore_mem>>, %arg21: memref<!tpu.dma_semaphore, #tpu.memory_space<semaphore_mem>>) attributes {dimension_semantics = [#tpu.dimension_semantics<core_parallel>, #tpu.dimension_semantics<subcore_parallel>], iteration_bounds = array<i64: 2, 16>, scalar_prefetch = 0 : i64, scratch_operands = 14 : i64, tpu.core_type = #tpu.core_type<sc_vector_subcore>, window_params = [{transform_indices = #map}, {transform_indices = #map}, {transform_indices = #map1}, {transform_indices = #map1}, {transform_indices = #map}, {transform_indices = #map}]} {
    %mul3A = arith.constant 2 : i32
    %mul3A_0 = arith.muli %arg1, %mul3A : i32
    %add3A = arith.addi %mul3A_0, %arg0 : i32
    %mul3A_1 = arith.constant 10000 : i32
    %mul3A_2 = arith.muli %add3A, %mul3A_1 : i32
    "tpu.region"() ({
      %run_scoped3A = tpu.sem_alloc : memref<!tpu.dma_semaphore, #tpu.memory_space<semaphore_mem>>
      %dma_start3A_52 = tpu.memref_slice %arg4[%mul3A_2] : memref<320000xi32, #tpu.memory_space<hbm>> -> memref<10000xi32, #tpu.memory_space<hbm>>
      %dma_start3A_53 = tpu.memref_slice %arg4[%mul3A_2] : memref<320000xi32, #tpu.memory_space<hbm>> -> memref<10000xi32, #tpu.memory_space<hbm>>
      tpu.enqueue_dma source(%dma_start3A_53 : memref<10000xi32, #tpu.memory_space<hbm>>) target(%arg8 : memref<10000xi32, #tpu.memory_space<vmem>>) target_semaphore(%run_scoped3A : memref<!tpu.dma_semaphore, #tpu.memory_space<semaphore_mem>>)
      %dma_wait3A_54 = tpu.memref_slice %arg4[%mul3A_2] : memref<320000xi32, #tpu.memory_space<hbm>> -> memref<10000xi32, #tpu.memory_space<hbm>>
      %dma_wait3A_55 = tpu.memref_slice %arg4[%mul3A_2] : memref<320000xi32, #tpu.memory_space<hbm>> -> memref<10000xi32, #tpu.memory_space<hbm>>
      tpu.wait_dma2 semaphore(%run_scoped3A : memref<!tpu.dma_semaphore, #tpu.memory_space<semaphore_mem>>) src(%dma_wait3A_55 : memref<10000xi32, #tpu.memory_space<hbm>>) dst(%arg8 : memref<10000xi32, #tpu.memory_space<vmem>>)
      tpu.yield
    }) : () -> ()
    "tpu.region"() ({
      %run_scoped3A = tpu.sem_alloc : memref<!tpu.dma_semaphore, #tpu.memory_space<semaphore_mem>>
      %dma_start3A_52 = tpu.memref_slice %arg5[%mul3A_2] : memref<320000xi32, #tpu.memory_space<hbm>> -> memref<10000xi32, #tpu.memory_space<hbm>>
      %dma_start3A_53 = tpu.memref_slice %arg5[%mul3A_2] : memref<320000xi32, #tpu.memory_space<hbm>> -> memref<10000xi32, #tpu.memory_space<hbm>>
      tpu.enqueue_dma source(%dma_start3A_53 : memref<10000xi32, #tpu.memory_space<hbm>>) target(%arg9 : memref<10000xi32, #tpu.memory_space<vmem>>) target_semaphore(%run_scoped3A : memref<!tpu.dma_semaphore, #tpu.memory_space<semaphore_mem>>)
      %dma_wait3A_54 = tpu.memref_slice %arg5[%mul3A_2] : memref<320000xi32, #tpu.memory_space<hbm>> -> memref<10000xi32, #tpu.memory_space<hbm>>
      %dma_wait3A_55 = tpu.memref_slice %arg5[%mul3A_2] : memref<320000xi32, #tpu.memory_space<hbm>> -> memref<10000xi32, #tpu.memory_space<hbm>>
      tpu.wait_dma2 semaphore(%run_scoped3A : memref<!tpu.dma_semaphore, #tpu.memory_space<semaphore_mem>>) src(%dma_wait3A_55 : memref<10000xi32, #tpu.memory_space<hbm>>) dst(%arg9 : memref<10000xi32, #tpu.memory_space<vmem>>)
      tpu.yield
    }) : () -> ()
    %dma_start3A = arith.constant 0 : i32
    %dma_start3A_3 = tpu.memref_slice %arg8[%dma_start3A] : memref<10000xi32, #tpu.memory_space<vmem>> -> memref<80xi32, #tpu.memory_space<vmem>>
    %dma_start3A_4 = arith.constant 0 : i32
    %dma_start3A_5 = arith.constant 0 : i32
    %dma_start3A_6 = tpu.memref_slice %arg2[%dma_start3A_4, %dma_start3A_5] : memref<10000x128xi32, #tpu.memory_space<hbm>> -> memref<10000x128xi32, #tpu.memory_space<hbm>>
    tpu.enqueue_indirect_dma source(%dma_start3A_6 : memref<10000x128xi32, #tpu.memory_space<hbm>>) target(%arg10 : memref<80x128xi32, #tpu.memory_space<vmem>>) offsets(%dma_start3A_3 : memref<80xi32, #tpu.memory_space<vmem>>) semaphore(%arg14 : memref<!tpu.dma_semaphore, #tpu.memory_space<semaphore_mem>>)
    %dma_start3A_7 = arith.constant 0 : i32
    %dma_start3A_8 = tpu.memref_slice %arg9[%dma_start3A_7] : memref<10000xi32, #tpu.memory_space<vmem>> -> memref<80xi32, #tpu.memory_space<vmem>>
    %dma_start3A_9 = arith.constant 0 : i32
    %dma_start3A_10 = arith.constant 0 : i32
    %dma_start3A_11 = tpu.memref_slice %arg3[%dma_start3A_9, %dma_start3A_10] : memref<10000x128xi32, #tpu.memory_space<hbm>> -> memref<10000x128xi32, #tpu.memory_space<hbm>>
    tpu.enqueue_indirect_dma source(%dma_start3A_11 : memref<10000x128xi32, #tpu.memory_space<hbm>>) target(%arg12 : memref<80x128xi32, #tpu.memory_space<vmem>>) offsets(%dma_start3A_8 : memref<80xi32, #tpu.memory_space<vmem>>) semaphore(%arg16 : memref<!tpu.dma_semaphore, #tpu.memory_space<semaphore_mem>>)
    %scan3A = arith.constant 0 : i32
    %scan3A_12 = arith.constant 0 : i32
    %scan3A_13 = arith.constant 62 : i32
    %scan3A_14 = arith.addi %scan3A_12, %scan3A_13 : i32
    %scan3A_15 = arith.constant 1 : i32
    scf.for %scan3A_52 = %scan3A_12 to %scan3A_14 step %scan3A_15  : i32 {
      %mul3A_53 = arith.constant 2 : i32
      %mul3A_54 = arith.muli %scan3A_52, %mul3A_53 : i32
      %add3A_55 = arith.constant 0 : i32
      %add3A_56 = arith.addi %mul3A_54, %add3A_55 : i32
      %gt3A = arith.constant 0 : i32
      %gt3A_57 = arith.cmpi sgt, %scan3A_52, %gt3A : i32
      %convert_element_type3A = arith.extui %gt3A_57 : i1 to i32
      %cond3A = arith.constant 0 : i32
      %cond3A_58 = arith.cmpi ne, %convert_element_type3A, %cond3A : i32
      scf.if %cond3A_58 {
        %dma_wait3A_141 = arith.constant 0 : i32
        %dma_wait3A_142 = tpu.memref_slice %arg6[%mul3A_2, %dma_wait3A_141] : memref<320000x128xi32, #tpu.memory_space<hbm>> -> memref<80x128xi32, #tpu.memory_space<hbm>>
        %dma_wait3A_143 = arith.constant 0 : i32
        %dma_wait3A_144 = tpu.memref_slice %arg6[%mul3A_2, %dma_wait3A_143] : memref<320000x128xi32, #tpu.memory_space<hbm>> -> memref<80x128xi32, #tpu.memory_space<hbm>>
        tpu.wait_dma2 semaphore(%arg19 : memref<!tpu.dma_semaphore, #tpu.memory_space<semaphore_mem>>) src(%arg11 : memref<80x128xi32, #tpu.memory_space<vmem>>) dst(%dma_wait3A_144 : memref<80x128xi32, #tpu.memory_space<hbm>>)
        %dma_wait3A_145 = arith.constant 0 : i32
        %dma_wait3A_146 = tpu.memref_slice %arg7[%mul3A_2, %dma_wait3A_145] : memref<320000x128xi32, #tpu.memory_space<hbm>> -> memref<80x128xi32, #tpu.memory_space<hbm>>
        %dma_wait3A_147 = arith.constant 0 : i32
        %dma_wait3A_148 = tpu.memref_slice %arg7[%mul3A_2, %dma_wait3A_147] : memref<320000x128xi32, #tpu.memory_space<hbm>> -> memref<80x128xi32, #tpu.memory_space<hbm>>
        tpu.wait_dma2 semaphore(%arg21 : memref<!tpu.dma_semaphore, #tpu.memory_space<semaphore_mem>>) src(%arg13 : memref<80x128xi32, #tpu.memory_space<vmem>>) dst(%dma_wait3A_148 : memref<80x128xi32, #tpu.memory_space<hbm>>)
      } else {
      }
      %add3A_59 = arith.constant 1 : i32
      %add3A_60 = arith.addi %add3A_56, %add3A_59 : i32
      %mul3A_61 = arith.constant 80 : i32
      %mul3A_62 = arith.muli %add3A_60, %mul3A_61 : i32
      %dma_start3A_63 = tpu.memref_slice %arg8[%mul3A_62] : memref<10000xi32, #tpu.memory_space<vmem>> -> memref<80xi32, #tpu.memory_space<vmem>>
      %dma_start3A_64 = arith.constant 0 : i32
      %dma_start3A_65 = arith.constant 0 : i32
      %dma_start3A_66 = tpu.memref_slice %arg2[%dma_start3A_64, %dma_start3A_65] : memref<10000x128xi32, #tpu.memory_space<hbm>> -> memref<10000x128xi32, #tpu.memory_space<hbm>>
      tpu.enqueue_indirect_dma source(%dma_start3A_66 : memref<10000x128xi32, #tpu.memory_space<hbm>>) target(%arg11 : memref<80x128xi32, #tpu.memory_space<vmem>>) offsets(%dma_start3A_63 : memref<80xi32, #tpu.memory_space<vmem>>) semaphore(%arg15 : memref<!tpu.dma_semaphore, #tpu.memory_space<semaphore_mem>>)
      %mul3A_67 = arith.constant 80 : i32
      %mul3A_68 = arith.muli %add3A_60, %mul3A_67 : i32
      %dma_start3A_69 = tpu.memref_slice %arg9[%mul3A_68] : memref<10000xi32, #tpu.memory_space<vmem>> -> memref<80xi32, #tpu.memory_space<vmem>>
      %dma_start3A_70 = arith.constant 0 : i32
      %dma_start3A_71 = arith.constant 0 : i32
      %dma_start3A_72 = tpu.memref_slice %arg3[%dma_start3A_70, %dma_start3A_71] : memref<10000x128xi32, #tpu.memory_space<hbm>> -> memref<10000x128xi32, #tpu.memory_space<hbm>>
      tpu.enqueue_indirect_dma source(%dma_start3A_72 : memref<10000x128xi32, #tpu.memory_space<hbm>>) target(%arg13 : memref<80x128xi32, #tpu.memory_space<vmem>>) offsets(%dma_start3A_69 : memref<80xi32, #tpu.memory_space<vmem>>) semaphore(%arg17 : memref<!tpu.dma_semaphore, #tpu.memory_space<semaphore_mem>>)
      %dma_wait3A_73 = arith.constant 0 : i32
      %dma_wait3A_74 = tpu.memref_slice %arg8[%dma_wait3A_73] : memref<10000xi32, #tpu.memory_space<vmem>> -> memref<80xi32, #tpu.memory_space<vmem>>
      %dma_wait3A_75 = arith.constant 0 : i32
      %dma_wait3A_76 = arith.constant 0 : i32
      %dma_wait3A_77 = tpu.memref_slice %arg2[%dma_wait3A_75, %dma_wait3A_76] : memref<10000x128xi32, #tpu.memory_space<hbm>> -> memref<10000x128xi32, #tpu.memory_space<hbm>>
      tpu.wait_indirect_dma semaphore(%arg14 : memref<!tpu.dma_semaphore, #tpu.memory_space<semaphore_mem>>) src(%dma_wait3A_77 : memref<10000x128xi32, #tpu.memory_space<hbm>>) dst(%arg10 : memref<80x128xi32, #tpu.memory_space<vmem>>)
      %dma_wait3A_78 = arith.constant 0 : i32
      %dma_wait3A_79 = tpu.memref_slice %arg9[%dma_wait3A_78] : memref<10000xi32, #tpu.memory_space<vmem>> -> memref<80xi32, #tpu.memory_space<vmem>>
      %dma_wait3A_80 = arith.constant 0 : i32
      %dma_wait3A_81 = arith.constant 0 : i32
      %dma_wait3A_82 = tpu.memref_slice %arg3[%dma_wait3A_80, %dma_wait3A_81] : memref<10000x128xi32, #tpu.memory_space<hbm>> -> memref<10000x128xi32, #tpu.memory_space<hbm>>
      tpu.wait_indirect_dma semaphore(%arg16 : memref<!tpu.dma_semaphore, #tpu.memory_space<semaphore_mem>>) src(%dma_wait3A_82 : memref<10000x128xi32, #tpu.memory_space<hbm>>) dst(%arg12 : memref<80x128xi32, #tpu.memory_space<vmem>>)
      %mul3A_83 = arith.constant 80 : i32
      %mul3A_84 = arith.muli %add3A_56, %mul3A_83 : i32
      %add3A_85 = arith.addi %mul3A_2, %mul3A_84 : i32
      %dma_start3A_86 = arith.constant 0 : i32
      %dma_start3A_87 = tpu.memref_slice %arg6[%add3A_85, %dma_start3A_86] : memref<320000x128xi32, #tpu.memory_space<hbm>> -> memref<80x128xi32, #tpu.memory_space<hbm>>
      %dma_start3A_88 = arith.constant 0 : i32
      %dma_start3A_89 = tpu.memref_slice %arg6[%add3A_85, %dma_start3A_88] : memref<320000x128xi32, #tpu.memory_space<hbm>> -> memref<80x128xi32, #tpu.memory_space<hbm>>
      tpu.enqueue_dma source(%arg10 : memref<80x128xi32, #tpu.memory_space<vmem>>) target(%dma_start3A_89 : memref<80x128xi32, #tpu.memory_space<hbm>>) target_semaphore(%arg18 : memref<!tpu.dma_semaphore, #tpu.memory_space<semaphore_mem>>)
      %dma_start3A_90 = arith.constant 0 : i32
      %dma_start3A_91 = tpu.memref_slice %arg7[%add3A_85, %dma_start3A_90] : memref<320000x128xi32, #tpu.memory_space<hbm>> -> memref<80x128xi32, #tpu.memory_space<hbm>>
      %dma_start3A_92 = arith.constant 0 : i32
      %dma_start3A_93 = tpu.memref_slice %arg7[%add3A_85, %dma_start3A_92] : memref<320000x128xi32, #tpu.memory_space<hbm>> -> memref<80x128xi32, #tpu.memory_space<hbm>>
      tpu.enqueue_dma source(%arg12 : memref<80x128xi32, #tpu.memory_space<vmem>>) target(%dma_start3A_93 : memref<80x128xi32, #tpu.memory_space<hbm>>) target_semaphore(%arg20 : memref<!tpu.dma_semaphore, #tpu.memory_space<semaphore_mem>>)
      %mul3A_94 = arith.constant 2 : i32
      %mul3A_95 = arith.muli %scan3A_52, %mul3A_94 : i32
      %add3A_96 = arith.constant 1 : i32
      %add3A_97 = arith.addi %mul3A_95, %add3A_96 : i32
      %dma_wait3A_98 = arith.constant 0 : i32
      %dma_wait3A_99 = tpu.memref_slice %arg6[%mul3A_2, %dma_wait3A_98] : memref<320000x128xi32, #tpu.memory_space<hbm>> -> memref<80x128xi32, #tpu.memory_space<hbm>>
      %dma_wait3A_100 = arith.constant 0 : i32
      %dma_wait3A_101 = tpu.memref_slice %arg6[%mul3A_2, %dma_wait3A_100] : memref<320000x128xi32, #tpu.memory_space<hbm>> -> memref<80x128xi32, #tpu.memory_space<hbm>>
      tpu.wait_dma2 semaphore(%arg18 : memref<!tpu.dma_semaphore, #tpu.memory_space<semaphore_mem>>) src(%arg10 : memref<80x128xi32, #tpu.memory_space<vmem>>) dst(%dma_wait3A_101 : memref<80x128xi32, #tpu.memory_space<hbm>>)
      %dma_wait3A_102 = arith.constant 0 : i32
      %dma_wait3A_103 = tpu.memref_slice %arg7[%mul3A_2, %dma_wait3A_102] : memref<320000x128xi32, #tpu.memory_space<hbm>> -> memref<80x128xi32, #tpu.memory_space<hbm>>
      %dma_wait3A_104 = arith.constant 0 : i32
      %dma_wait3A_105 = tpu.memref_slice %arg7[%mul3A_2, %dma_wait3A_104] : memref<320000x128xi32, #tpu.memory_space<hbm>> -> memref<80x128xi32, #tpu.memory_space<hbm>>
      tpu.wait_dma2 semaphore(%arg20 : memref<!tpu.dma_semaphore, #tpu.memory_space<semaphore_mem>>) src(%arg12 : memref<80x128xi32, #tpu.memory_space<vmem>>) dst(%dma_wait3A_105 : memref<80x128xi32, #tpu.memory_space<hbm>>)
      %add3A_106 = arith.constant 1 : i32
      %add3A_107 = arith.addi %add3A_97, %add3A_106 : i32
      %mul3A_108 = arith.constant 80 : i32
      %mul3A_109 = arith.muli %add3A_107, %mul3A_108 : i32
      %dma_start3A_110 = tpu.memref_slice %arg8[%mul3A_109] : memref<10000xi32, #tpu.memory_space<vmem>> -> memref<80xi32, #tpu.memory_space<vmem>>
      %dma_start3A_111 = arith.constant 0 : i32
      %dma_start3A_112 = arith.constant 0 : i32
      %dma_start3A_113 = tpu.memref_slice %arg2[%dma_start3A_111, %dma_start3A_112] : memref<10000x128xi32, #tpu.memory_space<hbm>> -> memref<10000x128xi32, #tpu.memory_space<hbm>>
      tpu.enqueue_indirect_dma source(%dma_start3A_113 : memref<10000x128xi32, #tpu.memory_space<hbm>>) target(%arg10 : memref<80x128xi32, #tpu.memory_space<vmem>>) offsets(%dma_start3A_110 : memref<80xi32, #tpu.memory_space<vmem>>) semaphore(%arg14 : memref<!tpu.dma_semaphore, #tpu.memory_space<semaphore_mem>>)
      %mul3A_114 = arith.constant 80 : i32
      %mul3A_115 = arith.muli %add3A_107, %mul3A_114 : i32
      %dma_start3A_116 = tpu.memref_slice %arg9[%mul3A_115] : memref<10000xi32, #tpu.memory_space<vmem>> -> memref<80xi32, #tpu.memory_space<vmem>>
      %dma_start3A_117 = arith.constant 0 : i32
      %dma_start3A_118 = arith.constant 0 : i32
      %dma_start3A_119 = tpu.memref_slice %arg3[%dma_start3A_117, %dma_start3A_118] : memref<10000x128xi32, #tpu.memory_space<hbm>> -> memref<10000x128xi32, #tpu.memory_space<hbm>>
      tpu.enqueue_indirect_dma source(%dma_start3A_119 : memref<10000x128xi32, #tpu.memory_space<hbm>>) target(%arg12 : memref<80x128xi32, #tpu.memory_space<vmem>>) offsets(%dma_start3A_116 : memref<80xi32, #tpu.memory_space<vmem>>) semaphore(%arg16 : memref<!tpu.dma_semaphore, #tpu.memory_space<semaphore_mem>>)
      %dma_wait3A_120 = arith.constant 0 : i32
      %dma_wait3A_121 = tpu.memref_slice %arg8[%dma_wait3A_120] : memref<10000xi32, #tpu.memory_space<vmem>> -> memref<80xi32, #tpu.memory_space<vmem>>
      %dma_wait3A_122 = arith.constant 0 : i32
      %dma_wait3A_123 = arith.constant 0 : i32
      %dma_wait3A_124 = tpu.memref_slice %arg2[%dma_wait3A_122, %dma_wait3A_123] : memref<10000x128xi32, #tpu.memory_space<hbm>> -> memref<10000x128xi32, #tpu.memory_space<hbm>>
      tpu.wait_indirect_dma semaphore(%arg15 : memref<!tpu.dma_semaphore, #tpu.memory_space<semaphore_mem>>) src(%dma_wait3A_124 : memref<10000x128xi32, #tpu.memory_space<hbm>>) dst(%arg11 : memref<80x128xi32, #tpu.memory_space<vmem>>)
      %dma_wait3A_125 = arith.constant 0 : i32
      %dma_wait3A_126 = tpu.memref_slice %arg9[%dma_wait3A_125] : memref<10000xi32, #tpu.memory_space<vmem>> -> memref<80xi32, #tpu.memory_space<vmem>>
      %dma_wait3A_127 = arith.constant 0 : i32
      %dma_wait3A_128 = arith.constant 0 : i32
      %dma_wait3A_129 = tpu.memref_slice %arg3[%dma_wait3A_127, %dma_wait3A_128] : memref<10000x128xi32, #tpu.memory_space<hbm>> -> memref<10000x128xi32, #tpu.memory_space<hbm>>
      tpu.wait_indirect_dma semaphore(%arg17 : memref<!tpu.dma_semaphore, #tpu.memory_space<semaphore_mem>>) src(%dma_wait3A_129 : memref<10000x128xi32, #tpu.memory_space<hbm>>) dst(%arg13 : memref<80x128xi32, #tpu.memory_space<vmem>>)
      %mul3A_130 = arith.constant 80 : i32
      %mul3A_131 = arith.muli %add3A_97, %mul3A_130 : i32
      %add3A_132 = arith.addi %mul3A_2, %mul3A_131 : i32
      %dma_start3A_133 = arith.constant 0 : i32
      %dma_start3A_134 = tpu.memref_slice %arg6[%add3A_132, %dma_start3A_133] : memref<320000x128xi32, #tpu.memory_space<hbm>> -> memref<80x128xi32, #tpu.memory_space<hbm>>
      %dma_start3A_135 = arith.constant 0 : i32
      %dma_start3A_136 = tpu.memref_slice %arg6[%add3A_132, %dma_start3A_135] : memref<320000x128xi32, #tpu.memory_space<hbm>> -> memref<80x128xi32, #tpu.memory_space<hbm>>
      tpu.enqueue_dma source(%arg11 : memref<80x128xi32, #tpu.memory_space<vmem>>) target(%dma_start3A_136 : memref<80x128xi32, #tpu.memory_space<hbm>>) target_semaphore(%arg19 : memref<!tpu.dma_semaphore, #tpu.memory_space<semaphore_mem>>)
      %dma_start3A_137 = arith.constant 0 : i32
      %dma_start3A_138 = tpu.memref_slice %arg7[%add3A_132, %dma_start3A_137] : memref<320000x128xi32, #tpu.memory_space<hbm>> -> memref<80x128xi32, #tpu.memory_space<hbm>>
      %dma_start3A_139 = arith.constant 0 : i32
      %dma_start3A_140 = tpu.memref_slice %arg7[%add3A_132, %dma_start3A_139] : memref<320000x128xi32, #tpu.memory_space<hbm>> -> memref<80x128xi32, #tpu.memory_space<hbm>>
      tpu.enqueue_dma source(%arg13 : memref<80x128xi32, #tpu.memory_space<vmem>>) target(%dma_start3A_140 : memref<80x128xi32, #tpu.memory_space<hbm>>) target_semaphore(%arg21 : memref<!tpu.dma_semaphore, #tpu.memory_space<semaphore_mem>>)
    }
    %scan3A_16 = arith.constant 62 : i32
    %dma_wait3A = arith.constant 0 : i32
    %dma_wait3A_17 = tpu.memref_slice %arg8[%dma_wait3A] : memref<10000xi32, #tpu.memory_space<vmem>> -> memref<80xi32, #tpu.memory_space<vmem>>
    %dma_wait3A_18 = arith.constant 0 : i32
    %dma_wait3A_19 = arith.constant 0 : i32
    %dma_wait3A_20 = tpu.memref_slice %arg2[%dma_wait3A_18, %dma_wait3A_19] : memref<10000x128xi32, #tpu.memory_space<hbm>> -> memref<10000x128xi32, #tpu.memory_space<hbm>>
    tpu.wait_indirect_dma semaphore(%arg14 : memref<!tpu.dma_semaphore, #tpu.memory_space<semaphore_mem>>) src(%dma_wait3A_20 : memref<10000x128xi32, #tpu.memory_space<hbm>>) dst(%arg10 : memref<80x128xi32, #tpu.memory_space<vmem>>)
    %dma_wait3A_21 = arith.constant 0 : i32
    %dma_wait3A_22 = tpu.memref_slice %arg9[%dma_wait3A_21] : memref<10000xi32, #tpu.memory_space<vmem>> -> memref<80xi32, #tpu.memory_space<vmem>>
    %dma_wait3A_23 = arith.constant 0 : i32
    %dma_wait3A_24 = arith.constant 0 : i32
    %dma_wait3A_25 = tpu.memref_slice %arg3[%dma_wait3A_23, %dma_wait3A_24] : memref<10000x128xi32, #tpu.memory_space<hbm>> -> memref<10000x128xi32, #tpu.memory_space<hbm>>
    tpu.wait_indirect_dma semaphore(%arg16 : memref<!tpu.dma_semaphore, #tpu.memory_space<semaphore_mem>>) src(%dma_wait3A_25 : memref<10000x128xi32, #tpu.memory_space<hbm>>) dst(%arg12 : memref<80x128xi32, #tpu.memory_space<vmem>>)
    %dma_wait3A_26 = arith.constant 0 : i32
    %dma_wait3A_27 = tpu.memref_slice %arg6[%mul3A_2, %dma_wait3A_26] : memref<320000x128xi32, #tpu.memory_space<hbm>> -> memref<80x128xi32, #tpu.memory_space<hbm>>
    %dma_wait3A_28 = arith.constant 0 : i32
    %dma_wait3A_29 = tpu.memref_slice %arg6[%mul3A_2, %dma_wait3A_28] : memref<320000x128xi32, #tpu.memory_space<hbm>> -> memref<80x128xi32, #tpu.memory_space<hbm>>
    tpu.wait_dma2 semaphore(%arg19 : memref<!tpu.dma_semaphore, #tpu.memory_space<semaphore_mem>>) src(%arg11 : memref<80x128xi32, #tpu.memory_space<vmem>>) dst(%dma_wait3A_29 : memref<80x128xi32, #tpu.memory_space<hbm>>)
    %dma_wait3A_30 = arith.constant 0 : i32
    %dma_wait3A_31 = tpu.memref_slice %arg7[%mul3A_2, %dma_wait3A_30] : memref<320000x128xi32, #tpu.memory_space<hbm>> -> memref<80x128xi32, #tpu.memory_space<hbm>>
    %dma_wait3A_32 = arith.constant 0 : i32
    %dma_wait3A_33 = tpu.memref_slice %arg7[%mul3A_2, %dma_wait3A_32] : memref<320000x128xi32, #tpu.memory_space<hbm>> -> memref<80x128xi32, #tpu.memory_space<hbm>>
    tpu.wait_dma2 semaphore(%arg21 : memref<!tpu.dma_semaphore, #tpu.memory_space<semaphore_mem>>) src(%arg13 : memref<80x128xi32, #tpu.memory_space<vmem>>) dst(%dma_wait3A_33 : memref<80x128xi32, #tpu.memory_space<hbm>>)
    %add3A_34 = arith.constant 9920 : i32
    %add3A_35 = arith.addi %mul3A_2, %add3A_34 : i32
    %dma_start3A_36 = arith.constant 0 : i32
    %dma_start3A_37 = tpu.memref_slice %arg6[%add3A_35, %dma_start3A_36] : memref<320000x128xi32, #tpu.memory_space<hbm>> -> memref<80x128xi32, #tpu.memory_space<hbm>>
    %dma_start3A_38 = arith.constant 0 : i32
    %dma_start3A_39 = tpu.memref_slice %arg6[%add3A_35, %dma_start3A_38] : memref<320000x128xi32, #tpu.memory_space<hbm>> -> memref<80x128xi32, #tpu.memory_space<hbm>>
    tpu.enqueue_dma source(%arg10 : memref<80x128xi32, #tpu.memory_space<vmem>>) target(%dma_start3A_39 : memref<80x128xi32, #tpu.memory_space<hbm>>) target_semaphore(%arg18 : memref<!tpu.dma_semaphore, #tpu.memory_space<semaphore_mem>>)
    %dma_start3A_40 = arith.constant 0 : i32
    %dma_start3A_41 = tpu.memref_slice %arg7[%add3A_35, %dma_start3A_40] : memref<320000x128xi32, #tpu.memory_space<hbm>> -> memref<80x128xi32, #tpu.memory_space<hbm>>
    %dma_start3A_42 = arith.constant 0 : i32
    %dma_start3A_43 = tpu.memref_slice %arg7[%add3A_35, %dma_start3A_42] : memref<320000x128xi32, #tpu.memory_space<hbm>> -> memref<80x128xi32, #tpu.memory_space<hbm>>
    tpu.enqueue_dma source(%arg12 : memref<80x128xi32, #tpu.memory_space<vmem>>) target(%dma_start3A_43 : memref<80x128xi32, #tpu.memory_space<hbm>>) target_semaphore(%arg20 : memref<!tpu.dma_semaphore, #tpu.memory_space<semaphore_mem>>)
    %dma_wait3A_44 = arith.constant 0 : i32
    %dma_wait3A_45 = tpu.memref_slice %arg6[%mul3A_2, %dma_wait3A_44] : memref<320000x128xi32, #tpu.memory_space<hbm>> -> memref<80x128xi32, #tpu.memory_space<hbm>>
    %dma_wait3A_46 = arith.constant 0 : i32
    %dma_wait3A_47 = tpu.memref_slice %arg6[%mul3A_2, %dma_wait3A_46] : memref<320000x128xi32, #tpu.memory_space<hbm>> -> memref<80x128xi32, #tpu.memory_space<hbm>>
    tpu.wait_dma2 semaphore(%arg18 : memref<!tpu.dma_semaphore, #tpu.memory_space<semaphore_mem>>) src(%arg10 : memref<80x128xi32, #tpu.memory_space<vmem>>) dst(%dma_wait3A_47 : memref<80x128xi32, #tpu.memory_space<hbm>>)
    %dma_wait3A_48 = arith.constant 0 : i32
    %dma_wait3A_49 = tpu.memref_slice %arg7[%mul3A_2, %dma_wait3A_48] : memref<320000x128xi32, #tpu.memory_space<hbm>> -> memref<80x128xi32, #tpu.memory_space<hbm>>
    %dma_wait3A_50 = arith.constant 0 : i32
    %dma_wait3A_51 = tpu.memref_slice %arg7[%mul3A_2, %dma_wait3A_50] : memref<320000x128xi32, #tpu.memory_space<hbm>> -> memref<80x128xi32, #tpu.memory_space<hbm>>
    tpu.wait_dma2 semaphore(%arg20 : memref<!tpu.dma_semaphore, #tpu.memory_space<semaphore_mem>>) src(%arg12 : memref<80x128xi32, #tpu.memory_space<vmem>>) dst(%dma_wait3A_51 : memref<80x128xi32, #tpu.memory_space<hbm>>)
    return
  }
}

module attributes {stable_mosaic.version = 14 : i64} {
  func.func @_tables_body(%arg0: i32, %arg1: memref<1000x128xf32, #tpu.memory_space<vmem>>, %arg2: memref<128x128xf32, #tpu.memory_space<vmem>>, %arg3: memref<128x128xf32, #tpu.memory_space<vmem>>, %arg4: memref<128x128xf32, #tpu.memory_space<vmem>>, %arg5: memref<128x128xf32, #tpu.memory_space<vmem>>, %arg6: memref<1000x128xi32, #tpu.memory_space<vmem>>, %arg7: memref<1000x128xi32, #tpu.memory_space<vmem>>) attributes {dimension_semantics = [#tpu.dimension_semantics<arbitrary>], iteration_bounds = array<i64: 10>, scalar_prefetch = 0 : i64, scratch_operands = 0 : i64, tpu.core_type = #tpu.core_type<tc>, window_params = [{transform_indices = @transform_0, window_bounds = array<i64: 1000, 128>}, {pipeline_mode = #tpu.pipeline_mode<synchronous>, transform_indices = @transform_1, window_bounds = array<i64: 128, 128>}, {pipeline_mode = #tpu.pipeline_mode<synchronous>, transform_indices = @transform_2, window_bounds = array<i64: 128, 128>}, {pipeline_mode = #tpu.pipeline_mode<synchronous>, transform_indices = @transform_3, window_bounds = array<i64: 128, 128>}, {pipeline_mode = #tpu.pipeline_mode<synchronous>, transform_indices = @transform_4, window_bounds = array<i64: 128, 128>}, {transform_indices = @transform_5, window_bounds = array<i64: 1000, 128>}, {transform_indices = @transform_6, window_bounds = array<i64: 1000, 128>}]} {
    %get3A = arith.constant 0 : index
    %get3A_0 = arith.constant 0 : index
    %get3A_1 = vector.load %arg1[%get3A, %get3A_0] : memref<1000x128xf32, #tpu.memory_space<vmem>>, vector<1000x128xf32>
    %get3A_2 = arith.constant 0 : index
    %get3A_3 = arith.constant 0 : index
    %get3A_4 = vector.load %arg2[%get3A_2, %get3A_3] : memref<128x128xf32, #tpu.memory_space<vmem>>, vector<128x128xf32>
    %dot_general3A = arith.constant dense<0.000000e+00> : vector<1000x128xf32>
    %dot_general3A_5 = tpu.matmul %get3A_1, %get3A_4, %dot_general3A {dimension_numbers = #tpu.dot_dimension_numbers<[1], [0], [0], [1], [0, 0, 1, 1], [], []>, transpose_lhs_hint = false} : vector<1000x128xf32>, vector<128x128xf32>, vector<1000x128xf32> -> vector<1000x128xf32>
    %get3A_6 = arith.constant 0 : index
    %get3A_7 = arith.constant 0 : index
    %get3A_8 = vector.load %arg3[%get3A_6, %get3A_7] : memref<128x128xf32, #tpu.memory_space<vmem>>, vector<128x128xf32>
    %dot_general3A_9 = arith.constant dense<0.000000e+00> : vector<1000x128xf32>
    %dot_general3A_10 = tpu.matmul %get3A_1, %get3A_8, %dot_general3A_9 {dimension_numbers = #tpu.dot_dimension_numbers<[1], [0], [0], [1], [0, 0, 1, 1], [], []>, transpose_lhs_hint = false} : vector<1000x128xf32>, vector<128x128xf32>, vector<1000x128xf32> -> vector<1000x128xf32>
    %get3A_11 = arith.constant 0 : index
    %get3A_12 = arith.constant 0 : index
    %get3A_13 = vector.load %arg4[%get3A_11, %get3A_12] : memref<128x128xf32, #tpu.memory_space<vmem>>, vector<128x128xf32>
    %dot_general3A_14 = arith.constant dense<0.000000e+00> : vector<1000x128xf32>
    %dot_general3A_15 = tpu.matmul %get3A_1, %get3A_13, %dot_general3A_14 {dimension_numbers = #tpu.dot_dimension_numbers<[1], [0], [0], [1], [0, 0, 1, 1], [], []>, transpose_lhs_hint = false} : vector<1000x128xf32>, vector<128x128xf32>, vector<1000x128xf32> -> vector<1000x128xf32>
    %get3A_16 = arith.constant 0 : index
    %get3A_17 = arith.constant 0 : index
    %get3A_18 = vector.load %arg5[%get3A_16, %get3A_17] : memref<128x128xf32, #tpu.memory_space<vmem>>, vector<128x128xf32>
    %dot_general3A_19 = arith.constant dense<0.000000e+00> : vector<1000x128xf32>
    %dot_general3A_20 = tpu.matmul %get3A_1, %get3A_18, %dot_general3A_19 {dimension_numbers = #tpu.dot_dimension_numbers<[1], [0], [0], [1], [0, 0, 1, 1], [], []>, transpose_lhs_hint = false} : vector<1000x128xf32>, vector<128x128xf32>, vector<1000x128xf32> -> vector<1000x128xf32>
    %convert_element_type3A = arith.truncf %dot_general3A_5 : vector<1000x128xf32> to vector<1000x128xbf16>
    %convert_element_type3A_21 = arith.extf %convert_element_type3A : vector<1000x128xbf16> to vector<1000x128xf32>
    %bitcast_convert_type3A = tpu.bitcast %convert_element_type3A_21 : vector<1000x128xf32> -> vector<1000x128xi32>
    %convert_element_type3A_22 = arith.truncf %dot_general3A_10 : vector<1000x128xf32> to vector<1000x128xbf16>
    %convert_element_type3A_23 = arith.extf %convert_element_type3A_22 : vector<1000x128xbf16> to vector<1000x128xf32>
    %bitcast_convert_type3A_24 = tpu.bitcast %convert_element_type3A_23 : vector<1000x128xf32> -> vector<1000x128xi32>
    %shift_right_logical3A = arith.constant 16 : i32
    %shift_right_logical3A_25 = vector.broadcast %shift_right_logical3A : i32 to vector<1000x128xi32>
    %shift_right_logical3A_26 = arith.shrui %bitcast_convert_type3A, %shift_right_logical3A_25 : vector<1000x128xi32>
    %and3A = arith.constant -65536 : i32
    %and3A_27 = vector.broadcast %and3A : i32 to vector<1000x128xi32>
    %and3A_28 = arith.andi %bitcast_convert_type3A_24, %and3A_27 : vector<1000x128xi32>
    %or3A = arith.ori %shift_right_logical3A_26, %and3A_28 : vector<1000x128xi32>
    %swap3A = arith.constant 0 : index
    %swap3A_29 = arith.constant 0 : index
    %swap3A_30 = vector.load %arg6[%swap3A, %swap3A_29] : memref<1000x128xi32, #tpu.memory_space<vmem>>, vector<1000x128xi32>
    tpu.vector_store %arg6[%swap3A, %swap3A_29], %or3A {strides = array<i32>} : memref<1000x128xi32, #tpu.memory_space<vmem>>, vector<1000x128xi32>,
    %convert_element_type3A_31 = arith.truncf %dot_general3A_15 : vector<1000x128xf32> to vector<1000x128xbf16>
    %convert_element_type3A_32 = arith.extf %convert_element_type3A_31 : vector<1000x128xbf16> to vector<1000x128xf32>
    %bitcast_convert_type3A_33 = tpu.bitcast %convert_element_type3A_32 : vector<1000x128xf32> -> vector<1000x128xi32>
    %convert_element_type3A_34 = arith.truncf %dot_general3A_20 : vector<1000x128xf32> to vector<1000x128xbf16>
    %convert_element_type3A_35 = arith.extf %convert_element_type3A_34 : vector<1000x128xbf16> to vector<1000x128xf32>
    %bitcast_convert_type3A_36 = tpu.bitcast %convert_element_type3A_35 : vector<1000x128xf32> -> vector<1000x128xi32>
    %shift_right_logical3A_37 = arith.constant 16 : i32
    %shift_right_logical3A_38 = vector.broadcast %shift_right_logical3A_37 : i32 to vector<1000x128xi32>
    %shift_right_logical3A_39 = arith.shrui %bitcast_convert_type3A_33, %shift_right_logical3A_38 : vector<1000x128xi32>
    %and3A_40 = arith.constant -65536 : i32
    %and3A_41 = vector.broadcast %and3A_40 : i32 to vector<1000x128xi32>
    %and3A_42 = arith.andi %bitcast_convert_type3A_36, %and3A_41 : vector<1000x128xi32>
    %or3A_43 = arith.ori %shift_right_logical3A_39, %and3A_42 : vector<1000x128xi32>
    %swap3A_44 = arith.constant 0 : index
    %swap3A_45 = arith.constant 0 : index
    %swap3A_46 = vector.load %arg7[%swap3A_44, %swap3A_45] : memref<1000x128xi32, #tpu.memory_space<vmem>>, vector<1000x128xi32>
    tpu.vector_store %arg7[%swap3A_44, %swap3A_45], %or3A_43 {strides = array<i32>} : memref<1000x128xi32, #tpu.memory_space<vmem>>, vector<1000x128xi32>,
    return
  }
  func.func @transform_0(%arg0: i32) -> (i32, i32) {
    %c0_i32 = arith.constant 0 : i32
    %c0_i32_0 = arith.constant 0 : i32
    return %arg0, %c0_i32 : i32, i32
  }
  func.func @transform_1(%arg0: i32) -> (i32, i32) {
    %c0_i32 = arith.constant 0 : i32
    %c0_i32_0 = arith.constant 0 : i32
    %c0_i32_1 = arith.constant 0 : i32
    return %c0_i32, %c0_i32_0 : i32, i32
  }
  func.func @transform_2(%arg0: i32) -> (i32, i32) {
    %c0_i32 = arith.constant 0 : i32
    %c0_i32_0 = arith.constant 0 : i32
    %c0_i32_1 = arith.constant 0 : i32
    return %c0_i32, %c0_i32_0 : i32, i32
  }
  func.func @transform_3(%arg0: i32) -> (i32, i32) {
    %c0_i32 = arith.constant 0 : i32
    %c0_i32_0 = arith.constant 0 : i32
    %c0_i32_1 = arith.constant 0 : i32
    return %c0_i32, %c0_i32_0 : i32, i32
  }
  func.func @transform_4(%arg0: i32) -> (i32, i32) {
    %c0_i32 = arith.constant 0 : i32
    %c0_i32_0 = arith.constant 0 : i32
    %c0_i32_1 = arith.constant 0 : i32
    return %c0_i32, %c0_i32_0 : i32, i32
  }
  func.func @transform_5(%arg0: i32) -> (i32, i32) {
    %c0_i32 = arith.constant 0 : i32
    %c0_i32_0 = arith.constant 0 : i32
    return %arg0, %c0_i32 : i32, i32
  }
  func.func @transform_6(%arg0: i32) -> (i32, i32) {
    %c0_i32 = arith.constant 0 : i32
    %c0_i32_0 = arith.constant 0 : i32
    return %arg0, %c0_i32 : i32, i32
  }
}

module attributes {stable_mosaic.version = 14 : i64} {
  func.func @_stats_body(%arg0: i32, %arg1: memref<8000x128xi32, #tpu.memory_space<vmem>>, %arg2: memref<8000x128xi32, #tpu.memory_space<vmem>>, %arg3: memref<8000x16xf32, #tpu.memory_space<vmem>>, %arg4: memref<16x128xf32, #tpu.memory_space<vmem>>, %arg5: memref<16x128xf32, #tpu.memory_space<vmem>>, %arg6: memref<8x128xf32, #tpu.memory_space<vmem>>, %arg7: memref<8x128xf32, #tpu.memory_space<vmem>>, %arg8: memref<8x128xf32, #tpu.memory_space<vmem>>, %arg9: memref<8x128xf32, #tpu.memory_space<vmem>>) attributes {dimension_semantics = [#tpu.dimension_semantics<arbitrary>], iteration_bounds = array<i64: 40>, scalar_prefetch = 0 : i64, scratch_operands = 0 : i64, tpu.core_type = #tpu.core_type<tc>, window_params = [{transform_indices = @transform_0, window_bounds = array<i64: 8000, 128>}, {transform_indices = @transform_1, window_bounds = array<i64: 8000, 128>}, {transform_indices = @transform_2, window_bounds = array<i64: 8000, 16>}, {pipeline_mode = #tpu.pipeline_mode<synchronous>, transform_indices = @transform_3, window_bounds = array<i64: 16, 128>}, {pipeline_mode = #tpu.pipeline_mode<synchronous>, transform_indices = @transform_4, window_bounds = array<i64: 16, 128>}, {pipeline_mode = #tpu.pipeline_mode<synchronous>, transform_indices = @transform_5, window_bounds = array<i64: 8, 128>}, {pipeline_mode = #tpu.pipeline_mode<synchronous>, transform_indices = @transform_6, window_bounds = array<i64: 8, 128>}, {pipeline_mode = #tpu.pipeline_mode<synchronous>, transform_indices = @transform_7, window_bounds = array<i64: 8, 128>}, {pipeline_mode = #tpu.pipeline_mode<synchronous>, transform_indices = @transform_8, window_bounds = array<i64: 8, 128>}]} {
    %get3A = arith.constant 0 : index
    %get3A_0 = arith.constant 0 : index
    %get3A_1 = vector.load %arg3[%get3A, %get3A_0] : memref<8000x16xf32, #tpu.memory_space<vmem>>, vector<8000x16xf32>
    %get3A_2 = arith.constant 0 : index
    %get3A_3 = arith.constant 0 : index
    %get3A_4 = vector.load %arg4[%get3A_2, %get3A_3] : memref<16x128xf32, #tpu.memory_space<vmem>>, vector<16x128xf32>
    %dot_general3A = arith.constant dense<0.000000e+00> : vector<8000x128xf32>
    %dot_general3A_5 = tpu.matmul %get3A_1, %get3A_4, %dot_general3A {dimension_numbers = #tpu.dot_dimension_numbers<[1], [0], [0], [1], [0, 0, 1, 1], [], []>, transpose_lhs_hint = false} : vector<8000x16xf32>, vector<16x128xf32>, vector<8000x128xf32> -> vector<8000x128xf32>
    %get3A_6 = arith.constant 0 : index
    %get3A_7 = arith.constant 0 : index
    %get3A_8 = vector.load %arg5[%get3A_6, %get3A_7] : memref<16x128xf32, #tpu.memory_space<vmem>>, vector<16x128xf32>
    %dot_general3A_9 = arith.constant dense<0.000000e+00> : vector<8000x128xf32>
    %dot_general3A_10 = tpu.matmul %get3A_1, %get3A_8, %dot_general3A_9 {dimension_numbers = #tpu.dot_dimension_numbers<[1], [0], [0], [1], [0, 0, 1, 1], [], []>, transpose_lhs_hint = false} : vector<8000x16xf32>, vector<16x128xf32>, vector<8000x128xf32> -> vector<8000x128xf32>
    %get3A_11 = arith.constant 0 : index
    %get3A_12 = arith.constant 0 : index
    %get3A_13 = vector.load %arg1[%get3A_11, %get3A_12] : memref<8000x128xi32, #tpu.memory_space<vmem>>, vector<8000x128xi32>
    %shift_left3A = arith.constant 16 : i32
    %shift_left3A_14 = vector.broadcast %shift_left3A : i32 to vector<8000x128xi32>
    %shift_left3A_15 = arith.shli %get3A_13, %shift_left3A_14 : vector<8000x128xi32>
    %bitcast_convert_type3A = tpu.bitcast %shift_left3A_15 : vector<8000x128xi32> -> vector<8000x128xf32>
    %and3A = arith.constant -65536 : i32
    %and3A_16 = vector.broadcast %and3A : i32 to vector<8000x128xi32>
    %and3A_17 = arith.andi %get3A_13, %and3A_16 : vector<8000x128xi32>
    %bitcast_convert_type3A_18 = tpu.bitcast %and3A_17 : vector<8000x128xi32> -> vector<8000x128xf32>
    %get3A_19 = arith.constant 0 : index
    %get3A_20 = arith.constant 0 : index
    %get3A_21 = vector.load %arg2[%get3A_19, %get3A_20] : memref<8000x128xi32, #tpu.memory_space<vmem>>, vector<8000x128xi32>
    %shift_left3A_22 = arith.constant 16 : i32
    %shift_left3A_23 = vector.broadcast %shift_left3A_22 : i32 to vector<8000x128xi32>
    %shift_left3A_24 = arith.shli %get3A_21, %shift_left3A_23 : vector<8000x128xi32>
    %bitcast_convert_type3A_25 = tpu.bitcast %shift_left3A_24 : vector<8000x128xi32> -> vector<8000x128xf32>
    %and3A_26 = arith.constant -65536 : i32
    %and3A_27 = vector.broadcast %and3A_26 : i32 to vector<8000x128xi32>
    %and3A_28 = arith.andi %get3A_21, %and3A_27 : vector<8000x128xi32>
    %bitcast_convert_type3A_29 = tpu.bitcast %and3A_28 : vector<8000x128xi32> -> vector<8000x128xf32>
    %add3A = arith.addf %bitcast_convert_type3A, %bitcast_convert_type3A_25 : vector<8000x128xf32>
    %add3A_30 = arith.addf %add3A, %dot_general3A_5 : vector<8000x128xf32>
    %add3A_31 = arith.addf %bitcast_convert_type3A_18, %bitcast_convert_type3A_29 : vector<8000x128xf32>
    %add3A_32 = arith.addf %add3A_31, %dot_general3A_10 : vector<8000x128xf32>
    %eq3A = arith.constant 0 : i32
    %eq3A_33 = arith.cmpi eq, %arg0, %eq3A : i32
    %convert_element_type3A = arith.extui %eq3A_33 : i1 to i32
    %cond3A = arith.constant 0 : i32
    %cond3A_34 = arith.cmpi ne, %convert_element_type3A, %cond3A : i32
    scf.if %cond3A_34 {
      %broadcast_in_dim3A_81 = arith.constant 0.000000e+00 : f32
      %broadcast_in_dim3A_82 = vector.broadcast %broadcast_in_dim3A_81 : f32 to vector<8x128xf32>
      %swap3A_83 = arith.constant 0 : index
      %swap3A_84 = arith.constant 0 : index
      %swap3A_85 = vector.load %arg6[%swap3A_83, %swap3A_84] : memref<8x128xf32, #tpu.memory_space<vmem>>, vector<8x128xf32>
      tpu.vector_store %arg6[%swap3A_83, %swap3A_84], %broadcast_in_dim3A_82 {strides = array<i32>} : memref<8x128xf32, #tpu.memory_space<vmem>>, vector<8x128xf32>,
      %broadcast_in_dim3A_86 = arith.constant 0.000000e+00 : f32
      %broadcast_in_dim3A_87 = vector.broadcast %broadcast_in_dim3A_86 : f32 to vector<8x128xf32>
      %swap3A_88 = arith.constant 0 : index
      %swap3A_89 = arith.constant 0 : index
      %swap3A_90 = vector.load %arg7[%swap3A_88, %swap3A_89] : memref<8x128xf32, #tpu.memory_space<vmem>>, vector<8x128xf32>
      tpu.vector_store %arg7[%swap3A_88, %swap3A_89], %broadcast_in_dim3A_87 {strides = array<i32>} : memref<8x128xf32, #tpu.memory_space<vmem>>, vector<8x128xf32>,
      %broadcast_in_dim3A_91 = arith.constant 0.000000e+00 : f32
      %broadcast_in_dim3A_92 = vector.broadcast %broadcast_in_dim3A_91 : f32 to vector<8x128xf32>
      %swap3A_93 = arith.constant 0 : index
      %swap3A_94 = arith.constant 0 : index
      %swap3A_95 = vector.load %arg8[%swap3A_93, %swap3A_94] : memref<8x128xf32, #tpu.memory_space<vmem>>, vector<8x128xf32>
      tpu.vector_store %arg8[%swap3A_93, %swap3A_94], %broadcast_in_dim3A_92 {strides = array<i32>} : memref<8x128xf32, #tpu.memory_space<vmem>>, vector<8x128xf32>,
      %broadcast_in_dim3A_96 = arith.constant 0.000000e+00 : f32
      %broadcast_in_dim3A_97 = vector.broadcast %broadcast_in_dim3A_96 : f32 to vector<8x128xf32>
      %swap3A_98 = arith.constant 0 : index
      %swap3A_99 = arith.constant 0 : index
      %swap3A_100 = vector.load %arg9[%swap3A_98, %swap3A_99] : memref<8x128xf32, #tpu.memory_space<vmem>>, vector<8x128xf32>
      tpu.vector_store %arg9[%swap3A_98, %swap3A_99], %broadcast_in_dim3A_97 {strides = array<i32>} : memref<8x128xf32, #tpu.memory_space<vmem>>, vector<8x128xf32>,
    } else {
    }
    %mul3A = arith.mulf %add3A_30, %add3A_30 : vector<8000x128xf32>
    %mul3A_35 = arith.mulf %add3A_32, %add3A_32 : vector<8000x128xf32>
    %get3A_36 = arith.constant 0 : index
    %get3A_37 = arith.constant 0 : index
    %get3A_38 = vector.load %arg6[%get3A_36, %get3A_37] : memref<8x128xf32, #tpu.memory_space<vmem>>, vector<8x128xf32>
    %reduce_sum3A = arith.constant dense<0.000000e+00> : vector<128xf32>
    %reduce_sum3A_39 = vector.multi_reduction <add>, %add3A_30, %reduce_sum3A [0] : vector<8000x128xf32> to vector<128xf32>
    %broadcast_in_dim3A = vector.shape_cast %reduce_sum3A_39 : vector<128xf32> to vector<1x128xf32>
    %broadcast_in_dim3A_40 = vector.shape_cast %broadcast_in_dim3A : vector<1x128xf32> to vector<1x128xf32>
    %broadcast_in_dim3A_41 = vector.broadcast %broadcast_in_dim3A_40 : vector<1x128xf32> to vector<8x128xf32>
    %add3A_42 = arith.addf %get3A_38, %broadcast_in_dim3A_41 : vector<8x128xf32>
    %swap3A = arith.constant 0 : index
    %swap3A_43 = arith.constant 0 : index
    %swap3A_44 = vector.load %arg6[%swap3A, %swap3A_43] : memref<8x128xf32, #tpu.memory_space<vmem>>, vector<8x128xf32>
    tpu.vector_store %arg6[%swap3A, %swap3A_43], %add3A_42 {strides = array<i32>} : memref<8x128xf32, #tpu.memory_space<vmem>>, vector<8x128xf32>,
    %get3A_45 = arith.constant 0 : index
    %get3A_46 = arith.constant 0 : index
    %get3A_47 = vector.load %arg7[%get3A_45, %get3A_46] : memref<8x128xf32, #tpu.memory_space<vmem>>, vector<8x128xf32>
    %reduce_sum3A_48 = arith.constant dense<0.000000e+00> : vector<128xf32>
    %reduce_sum3A_49 = vector.multi_reduction <add>, %mul3A, %reduce_sum3A_48 [0] : vector<8000x128xf32> to vector<128xf32>
    %broadcast_in_dim3A_50 = vector.shape_cast %reduce_sum3A_49 : vector<128xf32> to vector<1x128xf32>
    %broadcast_in_dim3A_51 = vector.shape_cast %broadcast_in_dim3A_50 : vector<1x128xf32> to vector<1x128xf32>
    %broadcast_in_dim3A_52 = vector.broadcast %broadcast_in_dim3A_51 : vector<1x128xf32> to vector<8x128xf32>
    %add3A_53 = arith.addf %get3A_47, %broadcast_in_dim3A_52 : vector<8x128xf32>
    %swap3A_54 = arith.constant 0 : index
    %swap3A_55 = arith.constant 0 : index
    %swap3A_56 = vector.load %arg7[%swap3A_54, %swap3A_55] : memref<8x128xf32, #tpu.memory_space<vmem>>, vector<8x128xf32>
    tpu.vector_store %arg7[%swap3A_54, %swap3A_55], %add3A_53 {strides = array<i32>} : memref<8x128xf32, #tpu.memory_space<vmem>>, vector<8x128xf32>,
    %get3A_57 = arith.constant 0 : index
    %get3A_58 = arith.constant 0 : index
    %get3A_59 = vector.load %arg8[%get3A_57, %get3A_58] : memref<8x128xf32, #tpu.memory_space<vmem>>, vector<8x128xf32>
    %reduce_sum3A_60 = arith.constant dense<0.000000e+00> : vector<128xf32>
    %reduce_sum3A_61 = vector.multi_reduction <add>, %add3A_32, %reduce_sum3A_60 [0] : vector<8000x128xf32> to vector<128xf32>
    %broadcast_in_dim3A_62 = vector.shape_cast %reduce_sum3A_61 : vector<128xf32> to vector<1x128xf32>
    %broadcast_in_dim3A_63 = vector.shape_cast %broadcast_in_dim3A_62 : vector<1x128xf32> to vector<1x128xf32>
    %broadcast_in_dim3A_64 = vector.broadcast %broadcast_in_dim3A_63 : vector<1x128xf32> to vector<8x128xf32>
    %add3A_65 = arith.addf %get3A_59, %broadcast_in_dim3A_64 : vector<8x128xf32>
    %swap3A_66 = arith.constant 0 : index
    %swap3A_67 = arith.constant 0 : index
    %swap3A_68 = vector.load %arg8[%swap3A_66, %swap3A_67] : memref<8x128xf32, #tpu.memory_space<vmem>>, vector<8x128xf32>
    tpu.vector_store %arg8[%swap3A_66, %swap3A_67], %add3A_65 {strides = array<i32>} : memref<8x128xf32, #tpu.memory_space<vmem>>, vector<8x128xf32>,
    %get3A_69 = arith.constant 0 : index
    %get3A_70 = arith.constant 0 : index
    %get3A_71 = vector.load %arg9[%get3A_69, %get3A_70] : memref<8x128xf32, #tpu.memory_space<vmem>>, vector<8x128xf32>
    %reduce_sum3A_72 = arith.constant dense<0.000000e+00> : vector<128xf32>
    %reduce_sum3A_73 = vector.multi_reduction <add>, %mul3A_35, %reduce_sum3A_72 [0] : vector<8000x128xf32> to vector<128xf32>
    %broadcast_in_dim3A_74 = vector.shape_cast %reduce_sum3A_73 : vector<128xf32> to vector<1x128xf32>
    %broadcast_in_dim3A_75 = vector.shape_cast %broadcast_in_dim3A_74 : vector<1x128xf32> to vector<1x128xf32>
    %broadcast_in_dim3A_76 = vector.broadcast %broadcast_in_dim3A_75 : vector<1x128xf32> to vector<8x128xf32>
    %add3A_77 = arith.addf %get3A_71, %broadcast_in_dim3A_76 : vector<8x128xf32>
    %swap3A_78 = arith.constant 0 : index
    %swap3A_79 = arith.constant 0 : index
    %swap3A_80 = vector.load %arg9[%swap3A_78, %swap3A_79] : memref<8x128xf32, #tpu.memory_space<vmem>>, vector<8x128xf32>
    tpu.vector_store %arg9[%swap3A_78, %swap3A_79], %add3A_77 {strides = array<i32>} : memref<8x128xf32, #tpu.memory_space<vmem>>, vector<8x128xf32>,
    return
  }
  func.func @transform_0(%arg0: i32) -> (i32, i32) {
    %c0_i32 = arith.constant 0 : i32
    %c0_i32_0 = arith.constant 0 : i32
    return %arg0, %c0_i32 : i32, i32
  }
  func.func @transform_1(%arg0: i32) -> (i32, i32) {
    %c0_i32 = arith.constant 0 : i32
    %c0_i32_0 = arith.constant 0 : i32
    return %arg0, %c0_i32 : i32, i32
  }
  func.func @transform_2(%arg0: i32) -> (i32, i32) {
    %c0_i32 = arith.constant 0 : i32
    %c0_i32_0 = arith.constant 0 : i32
    return %arg0, %c0_i32 : i32, i32
  }
  func.func @transform_3(%arg0: i32) -> (i32, i32) {
    %c0_i32 = arith.constant 0 : i32
    %c0_i32_0 = arith.constant 0 : i32
    %c0_i32_1 = arith.constant 0 : i32
    return %c0_i32, %c0_i32_0 : i32, i32
  }
  func.func @transform_4(%arg0: i32) -> (i32, i32) {
    %c0_i32 = arith.constant 0 : i32
    %c0_i32_0 = arith.constant 0 : i32
    %c0_i32_1 = arith.constant 0 : i32
    return %c0_i32, %c0_i32_0 : i32, i32
  }
  func.func @transform_5(%arg0: i32) -> (i32, i32) {
    %c0_i32 = arith.constant 0 : i32
    %c0_i32_0 = arith.constant 0 : i32
    %c0_i32_1 = arith.constant 0 : i32
    return %c0_i32, %c0_i32_0 : i32, i32
  }
  func.func @transform_6(%arg0: i32) -> (i32, i32) {
    %c0_i32 = arith.constant 0 : i32
    %c0_i32_0 = arith.constant 0 : i32
    %c0_i32_1 = arith.constant 0 : i32
    return %c0_i32, %c0_i32_0 : i32, i32
  }
  func.func @transform_7(%arg0: i32) -> (i32, i32) {
    %c0_i32 = arith.constant 0 : i32
    %c0_i32_0 = arith.constant 0 : i32
    %c0_i32_1 = arith.constant 0 : i32
    return %c0_i32, %c0_i32_0 : i32, i32
  }
  func.func @transform_8(%arg0: i32) -> (i32, i32) {
    %c0_i32 = arith.constant 0 : i32
    %c0_i32_0 = arith.constant 0 : i32
    %c0_i32_1 = arith.constant 0 : i32
    return %c0_i32, %c0_i32_0 : i32, i32
  }
}

module attributes {stable_mosaic.version = 14 : i64} {
  func.func @_msg_body(%arg0: i32, %arg1: memref<8000x128xi32, #tpu.memory_space<vmem>>, %arg2: memref<8000x128xi32, #tpu.memory_space<vmem>>, %arg3: memref<8000x16xf32, #tpu.memory_space<vmem>>, %arg4: memref<16x128xf32, #tpu.memory_space<vmem>>, %arg5: memref<16x128xf32, #tpu.memory_space<vmem>>, %arg6: memref<8x128xf32, #tpu.memory_space<vmem>>, %arg7: memref<8x128xf32, #tpu.memory_space<vmem>>, %arg8: memref<8x128xf32, #tpu.memory_space<vmem>>, %arg9: memref<8x128xf32, #tpu.memory_space<vmem>>, %arg10: memref<8000x128xf32, #tpu.memory_space<vmem>>) attributes {dimension_semantics = [#tpu.dimension_semantics<arbitrary>], iteration_bounds = array<i64: 40>, scalar_prefetch = 0 : i64, scratch_operands = 0 : i64, tpu.core_type = #tpu.core_type<tc>, window_params = [{transform_indices = @transform_0, window_bounds = array<i64: 8000, 128>}, {transform_indices = @transform_1, window_bounds = array<i64: 8000, 128>}, {transform_indices = @transform_2, window_bounds = array<i64: 8000, 16>}, {pipeline_mode = #tpu.pipeline_mode<synchronous>, transform_indices = @transform_3, window_bounds = array<i64: 16, 128>}, {pipeline_mode = #tpu.pipeline_mode<synchronous>, transform_indices = @transform_4, window_bounds = array<i64: 16, 128>}, {pipeline_mode = #tpu.pipeline_mode<synchronous>, transform_indices = @transform_5, window_bounds = array<i64: 8, 128>}, {pipeline_mode = #tpu.pipeline_mode<synchronous>, transform_indices = @transform_6, window_bounds = array<i64: 8, 128>}, {pipeline_mode = #tpu.pipeline_mode<synchronous>, transform_indices = @transform_7, window_bounds = array<i64: 8, 128>}, {pipeline_mode = #tpu.pipeline_mode<synchronous>, transform_indices = @transform_8, window_bounds = array<i64: 8, 128>}, {transform_indices = @transform_9, window_bounds = array<i64: 8000, 128>}]} {
    %get3A = arith.constant 0 : index
    %get3A_0 = arith.constant 0 : index
    %get3A_1 = vector.load %arg3[%get3A, %get3A_0] : memref<8000x16xf32, #tpu.memory_space<vmem>>, vector<8000x16xf32>
    %get3A_2 = arith.constant 0 : index
    %get3A_3 = arith.constant 0 : index
    %get3A_4 = vector.load %arg4[%get3A_2, %get3A_3] : memref<16x128xf32, #tpu.memory_space<vmem>>, vector<16x128xf32>
    %dot_general3A = arith.constant dense<0.000000e+00> : vector<8000x128xf32>
    %dot_general3A_5 = tpu.matmul %get3A_1, %get3A_4, %dot_general3A {dimension_numbers = #tpu.dot_dimension_numbers<[1], [0], [0], [1], [0, 0, 1, 1], [], []>, transpose_lhs_hint = false} : vector<8000x16xf32>, vector<16x128xf32>, vector<8000x128xf32> -> vector<8000x128xf32>
    %get3A_6 = arith.constant 0 : index
    %get3A_7 = arith.constant 0 : index
    %get3A_8 = vector.load %arg5[%get3A_6, %get3A_7] : memref<16x128xf32, #tpu.memory_space<vmem>>, vector<16x128xf32>
    %dot_general3A_9 = arith.constant dense<0.000000e+00> : vector<8000x128xf32>
    %dot_general3A_10 = tpu.matmul %get3A_1, %get3A_8, %dot_general3A_9 {dimension_numbers = #tpu.dot_dimension_numbers<[1], [0], [0], [1], [0, 0, 1, 1], [], []>, transpose_lhs_hint = false} : vector<8000x16xf32>, vector<16x128xf32>, vector<8000x128xf32> -> vector<8000x128xf32>
    %get3A_11 = arith.constant 0 : index
    %get3A_12 = arith.constant 0 : index
    %get3A_13 = vector.load %arg1[%get3A_11, %get3A_12] : memref<8000x128xi32, #tpu.memory_space<vmem>>, vector<8000x128xi32>
    %shift_left3A = arith.constant 16 : i32
    %shift_left3A_14 = vector.broadcast %shift_left3A : i32 to vector<8000x128xi32>
    %shift_left3A_15 = arith.shli %get3A_13, %shift_left3A_14 : vector<8000x128xi32>
    %bitcast_convert_type3A = tpu.bitcast %shift_left3A_15 : vector<8000x128xi32> -> vector<8000x128xf32>
    %and3A = arith.constant -65536 : i32
    %and3A_16 = vector.broadcast %and3A : i32 to vector<8000x128xi32>
    %and3A_17 = arith.andi %get3A_13, %and3A_16 : vector<8000x128xi32>
    %bitcast_convert_type3A_18 = tpu.bitcast %and3A_17 : vector<8000x128xi32> -> vector<8000x128xf32>
    %get3A_19 = arith.constant 0 : index
    %get3A_20 = arith.constant 0 : index
    %get3A_21 = vector.load %arg2[%get3A_19, %get3A_20] : memref<8000x128xi32, #tpu.memory_space<vmem>>, vector<8000x128xi32>
    %shift_left3A_22 = arith.constant 16 : i32
    %shift_left3A_23 = vector.broadcast %shift_left3A_22 : i32 to vector<8000x128xi32>
    %shift_left3A_24 = arith.shli %get3A_21, %shift_left3A_23 : vector<8000x128xi32>
    %bitcast_convert_type3A_25 = tpu.bitcast %shift_left3A_24 : vector<8000x128xi32> -> vector<8000x128xf32>
    %and3A_26 = arith.constant -65536 : i32
    %and3A_27 = vector.broadcast %and3A_26 : i32 to vector<8000x128xi32>
    %and3A_28 = arith.andi %get3A_21, %and3A_27 : vector<8000x128xi32>
    %bitcast_convert_type3A_29 = tpu.bitcast %and3A_28 : vector<8000x128xi32> -> vector<8000x128xf32>
    %add3A = arith.addf %bitcast_convert_type3A, %bitcast_convert_type3A_25 : vector<8000x128xf32>
    %add3A_30 = arith.addf %add3A, %dot_general3A_5 : vector<8000x128xf32>
    %get3A_31 = arith.constant 0 : index
    %get3A_32 = arith.constant 0 : index
    %get3A_33 = vector.load %arg6[%get3A_31, %get3A_32] : memref<8x128xf32, #tpu.memory_space<vmem>>, vector<1x128xf32>
    %mul3A = vector.broadcast %get3A_33 : vector<1x128xf32> to vector<8000x128xf32>
    %mul3A_34 = arith.mulf %add3A_30, %mul3A : vector<8000x128xf32>
    %get3A_35 = arith.constant 0 : index
    %get3A_36 = arith.constant 0 : index
    %get3A_37 = vector.load %arg7[%get3A_35, %get3A_36] : memref<8x128xf32, #tpu.memory_space<vmem>>, vector<1x128xf32>
    %add3A_38 = vector.broadcast %get3A_37 : vector<1x128xf32> to vector<8000x128xf32>
    %add3A_39 = arith.addf %mul3A_34, %add3A_38 : vector<8000x128xf32>
    %add3A_40 = arith.addf %bitcast_convert_type3A_18, %bitcast_convert_type3A_29 : vector<8000x128xf32>
    %add3A_41 = arith.addf %add3A_40, %dot_general3A_10 : vector<8000x128xf32>
    %get3A_42 = arith.constant 0 : index
    %get3A_43 = arith.constant 0 : index
    %get3A_44 = vector.load %arg8[%get3A_42, %get3A_43] : memref<8x128xf32, #tpu.memory_space<vmem>>, vector<1x128xf32>
    %mul3A_45 = vector.broadcast %get3A_44 : vector<1x128xf32> to vector<8000x128xf32>
    %mul3A_46 = arith.mulf %add3A_41, %mul3A_45 : vector<8000x128xf32>
    %get3A_47 = arith.constant 0 : index
    %get3A_48 = arith.constant 0 : index
    %get3A_49 = vector.load %arg9[%get3A_47, %get3A_48] : memref<8x128xf32, #tpu.memory_space<vmem>>, vector<1x128xf32>
    %add3A_50 = vector.broadcast %get3A_49 : vector<1x128xf32> to vector<8000x128xf32>
    %add3A_51 = arith.addf %mul3A_46, %add3A_50 : vector<8000x128xf32>
    %logistic3A = arith.negf %add3A_39 : vector<8000x128xf32>
    %logistic3A_52 = math.exp %logistic3A : vector<8000x128xf32>
    %logistic3A_53 = arith.constant 1.000000e+00 : f32
    %logistic3A_54 = vector.broadcast %logistic3A_53 : f32 to vector<8000x128xf32>
    %logistic3A_55 = arith.addf %logistic3A_54, %logistic3A_52 : vector<8000x128xf32>
    %logistic3A_56 = arith.divf %logistic3A_54, %logistic3A_55 : vector<8000x128xf32>
    %custom_jvp_call3A = arith.constant 0.000000e+00 : f32
    %max3A = vector.broadcast %custom_jvp_call3A : f32 to vector<8000x128xf32>
    %max3A_57 = arith.maximumf %add3A_51, %max3A : vector<8000x128xf32>
    %sub3A = vector.broadcast %custom_jvp_call3A : f32 to vector<8000x128xf32>
    %sub3A_58 = arith.subf %add3A_51, %sub3A : vector<8000x128xf32>
    %ne3A = arith.cmpf one, %sub3A_58, %sub3A_58 : vector<8000x128xf32>
    %add3A_59 = vector.broadcast %custom_jvp_call3A : f32 to vector<8000x128xf32>
    %add3A_60 = arith.addf %add3A_51, %add3A_59 : vector<8000x128xf32>
    %abs3A = math.absf %sub3A_58 : vector<8000x128xf32>
    %neg3A = arith.constant 0.000000e+00 : f32
    %neg3A_61 = vector.broadcast %neg3A : f32 to vector<8000x128xf32>
    %neg3A_62 = arith.subf %neg3A_61, %abs3A : vector<8000x128xf32>
    %exp3A = math.exp %neg3A_62 : vector<8000x128xf32>
    %log1p3A = math.log1p %exp3A : vector<8000x128xf32>
    %add3A_63 = arith.addf %max3A_57, %log1p3A : vector<8000x128xf32>
    %select_n3A = arith.select %ne3A, %add3A_60, %add3A_63 : vector<8000x128xi1>, vector<8000x128xf32>
    %mul3A_64 = arith.mulf %logistic3A_56, %select_n3A : vector<8000x128xf32>
    %swap3A = arith.constant 0 : index
    %swap3A_65 = arith.constant 0 : index
    %swap3A_66 = vector.load %arg10[%swap3A, %swap3A_65] : memref<8000x128xf32, #tpu.memory_space<vmem>>, vector<8000x128xf32>
    tpu.vector_store %arg10[%swap3A, %swap3A_65], %mul3A_64 {strides = array<i32>} : memref<8000x128xf32, #tpu.memory_space<vmem>>, vector<8000x128xf32>,
    return
  }
  func.func @transform_0(%arg0: i32) -> (i32, i32) {
    %c0_i32 = arith.constant 0 : i32
    %c0_i32_0 = arith.constant 0 : i32
    return %arg0, %c0_i32 : i32, i32
  }
  func.func @transform_1(%arg0: i32) -> (i32, i32) {
    %c0_i32 = arith.constant 0 : i32
    %c0_i32_0 = arith.constant 0 : i32
    return %arg0, %c0_i32 : i32, i32
  }
  func.func @transform_2(%arg0: i32) -> (i32, i32) {
    %c0_i32 = arith.constant 0 : i32
    %c0_i32_0 = arith.constant 0 : i32
    return %arg0, %c0_i32 : i32, i32
  }
  func.func @transform_3(%arg0: i32) -> (i32, i32) {
    %c0_i32 = arith.constant 0 : i32
    %c0_i32_0 = arith.constant 0 : i32
    %c0_i32_1 = arith.constant 0 : i32
    return %c0_i32, %c0_i32_0 : i32, i32
  }
  func.func @transform_4(%arg0: i32) -> (i32, i32) {
    %c0_i32 = arith.constant 0 : i32
    %c0_i32_0 = arith.constant 0 : i32
    %c0_i32_1 = arith.constant 0 : i32
    return %c0_i32, %c0_i32_0 : i32, i32
  }
  func.func @transform_5(%arg0: i32) -> (i32, i32) {
    %c0_i32 = arith.constant 0 : i32
    %c0_i32_0 = arith.constant 0 : i32
    %c0_i32_1 = arith.constant 0 : i32
    return %c0_i32, %c0_i32_0 : i32, i32
  }
  func.func @transform_6(%arg0: i32) -> (i32, i32) {
    %c0_i32 = arith.constant 0 : i32
    %c0_i32_0 = arith.constant 0 : i32
    %c0_i32_1 = arith.constant 0 : i32
    return %c0_i32, %c0_i32_0 : i32, i32
  }
  func.func @transform_7(%arg0: i32) -> (i32, i32) {
    %c0_i32 = arith.constant 0 : i32
    %c0_i32_0 = arith.constant 0 : i32
    %c0_i32_1 = arith.constant 0 : i32
    return %c0_i32, %c0_i32_0 : i32, i32
  }
  func.func @transform_8(%arg0: i32) -> (i32, i32) {
    %c0_i32 = arith.constant 0 : i32
    %c0_i32_0 = arith.constant 0 : i32
    %c0_i32_1 = arith.constant 0 : i32
    return %c0_i32, %c0_i32_0 : i32, i32
  }
  func.func @transform_9(%arg0: i32) -> (i32, i32) {
    %c0_i32 = arith.constant 0 : i32
    %c0_i32_0 = arith.constant 0 : i32
    return %arg0, %c0_i32 : i32, i32
  }
}

module attributes {stable_mosaic.version = 14 : i64} {
  func.func @_bn2_body(%arg0: memref<20480x128xf32, #tpu.memory_space<vmem>>, %arg1: memref<8x128xf32, #tpu.memory_space<vmem>>, %arg2: memref<8x128xf32, #tpu.memory_space<vmem>>, %arg3: memref<10000x128xf32, #tpu.memory_space<vmem>>) attributes {dimension_semantics = [], scalar_prefetch = 0 : i64, scratch_operands = 0 : i64, tpu.core_type = #tpu.core_type<tc>} {
    %get3A = arith.constant 0 : index
    %get3A_0 = arith.constant 0 : index
    %get3A_1 = vector.load %arg0[%get3A, %get3A_0] : memref<20480x128xf32, #tpu.memory_space<vmem>>, vector<10000x128xf32>
    %get3A_2 = arith.constant 10240 : index
    %get3A_3 = arith.constant 0 : index
    %get3A_4 = vector.load %arg0[%get3A_2, %get3A_3] : memref<20480x128xf32, #tpu.memory_space<vmem>>, vector<10000x128xf32>
    %add3A = arith.addf %get3A_1, %get3A_4 : vector<10000x128xf32>
    %reduce_sum3A = arith.constant dense<0.000000e+00> : vector<128xf32>
    %reduce_sum3A_5 = vector.multi_reduction <add>, %add3A, %reduce_sum3A [0] : vector<10000x128xf32> to vector<128xf32>
    %broadcast_in_dim3A = vector.shape_cast %reduce_sum3A_5 : vector<128xf32> to vector<1x128xf32>
    %div3A = arith.constant 1.000000e+04 : f32
    %div3A_6 = vector.broadcast %div3A : f32 to vector<1x128xf32>
    %div3A_7 = arith.divf %broadcast_in_dim3A, %div3A_6 : vector<1x128xf32>
    %mul3A = arith.mulf %add3A, %add3A : vector<10000x128xf32>
    %reduce_sum3A_8 = arith.constant dense<0.000000e+00> : vector<128xf32>
    %reduce_sum3A_9 = vector.multi_reduction <add>, %mul3A, %reduce_sum3A_8 [0] : vector<10000x128xf32> to vector<128xf32>
    %broadcast_in_dim3A_10 = vector.shape_cast %reduce_sum3A_9 : vector<128xf32> to vector<1x128xf32>
    %div3A_11 = arith.constant 1.000000e+04 : f32
    %div3A_12 = vector.broadcast %div3A_11 : f32 to vector<1x128xf32>
    %div3A_13 = arith.divf %broadcast_in_dim3A_10, %div3A_12 : vector<1x128xf32>
    %mul3A_14 = arith.mulf %div3A_7, %div3A_7 : vector<1x128xf32>
    %sub3A = arith.subf %div3A_13, %mul3A_14 : vector<1x128xf32>
    %get3A_15 = arith.constant 0 : index
    %get3A_16 = arith.constant 0 : index
    %get3A_17 = vector.load %arg1[%get3A_15, %get3A_16] : memref<8x128xf32, #tpu.memory_space<vmem>>, vector<1x128xf32>
    %add3A_18 = arith.constant 9.99999974E-6 : f32
    %add3A_19 = vector.broadcast %add3A_18 : f32 to vector<1x128xf32>
    %add3A_20 = arith.addf %sub3A, %add3A_19 : vector<1x128xf32>
    %rsqrt3A = math.rsqrt %add3A_20 : vector<1x128xf32>
    %mul3A_21 = arith.mulf %get3A_17, %rsqrt3A : vector<1x128xf32>
    %sub3A_22 = vector.broadcast %div3A_7 : vector<1x128xf32> to vector<10000x128xf32>
    %sub3A_23 = arith.subf %add3A, %sub3A_22 : vector<10000x128xf32>
    %mul3A_24 = vector.broadcast %mul3A_21 : vector<1x128xf32> to vector<10000x128xf32>
    %mul3A_25 = arith.mulf %sub3A_23, %mul3A_24 : vector<10000x128xf32>
    %get3A_26 = arith.constant 0 : index
    %get3A_27 = arith.constant 0 : index
    %get3A_28 = vector.load %arg2[%get3A_26, %get3A_27] : memref<8x128xf32, #tpu.memory_space<vmem>>, vector<1x128xf32>
    %add3A_29 = vector.broadcast %get3A_28 : vector<1x128xf32> to vector<10000x128xf32>
    %add3A_30 = arith.addf %mul3A_25, %add3A_29 : vector<10000x128xf32>
    %swap3A = arith.constant 0 : index
    %swap3A_31 = arith.constant 0 : index
    %swap3A_32 = vector.load %arg3[%swap3A, %swap3A_31] : memref<10000x128xf32, #tpu.memory_space<vmem>>, vector<10000x128xf32>
    tpu.vector_store %arg3[%swap3A, %swap3A_31], %add3A_30 {strides = array<i32>} : memref<10000x128xf32, #tpu.memory_space<vmem>>, vector<10000x128xf32>,
    return
  }
}

</mosaic_0001>

<sc_bundles>
// kernel: kernel.11.cloned.1.call-start
scs
__scs_entry_jumppad:
0x0: {  	(pc) =	sbr.rel $0x88, $3  }
0x1: {  	(tag) =	ssettag $0x0;
	lr =	simm.s32 $0x1  }
0x2: {  	[smem:$0x3F99] =	sst lr;
	_ =	strace $0xD0000000  }
0x3: {  	_ = 	snop  }
0x4: {  	_ = 	snop  }
0x5: {  	_ = 	snop  }
0x6: {  	_ = 	snop  }
0x7: {  	_ = 	snop  }
__scs_overlays_trampoline_lowered:
0x8: {  	[smem:$0x3FA8] =	sst s0  }
0x9: {  	[smem:$0x3FA9] =	sst s1  }
0xa: {  	[smem:$0x3FAA] =	sst s2  }
0xb: {  	[smem:$0x3FAB] =	sst s3  }
0xc: {  	[smem:$0x3FAC] =	sst s4  }
0xd: {  	[smem:$0x3FAD] =	sst s5  }
0xe: {  	[smem:$0x3FAE] =	sst s6  }
0xf: {  	[smem:$0x3FAF] =	sst s7  }
0x10: {  	[smem:$0x3FB0] =	sst s8  }
0x11: {  	[smem:$0x3FB1] =	sst s9;
	s0 =	simm.s32 @!p0 $0x0  }
0x12: {  	s1 =	sld [smem:$0x3F97];
	s0 =	simm.s32 @p0 $0x1  }
0x13: {  	[smem:$0x3FB2] =	sst s0;
	s0 =	simm.s32 @!p1 $0x0  }
0x14: {  	s2 =	sld [smem:$0x3F96];
	s0 =	simm.s32 @p1 $0x1  }
0x15: {  	[smem:$0x3FB3] =	sst s0;
	s0 =	simm.s32 @!p2 $0x0  }
0x16: {  	s3 =	sld [smem:$0x3FDB];
	s0 =	simm.s32 @p2 $0x1  }
0x17: {  	s4 =	simm.s32 $0x1BF5;
	[smem:$0x3FB5] =	sst s0  }
0x18: {  	s0 =	sld [smem:$0x3F98];
	_ =	swait.ge [sflag:s4], $0x0  }
0x19: {  	s7 =	sld [smem:$0x3F99]  }
0x1a: {  	s8 =	sadd.s32 $0xFFFFE003, lr  }
0x1b: {  	s9 =	sadd.s32 $0xFFFFFEF7, lr;
	s5 =	simm.s32 $0xFFFFFFFF;
	p2 =	slt.u32 s8, $0xFFFFF086  }
0x1c: {  	p1 =	slt.u32 s9, $0xF7A;
	s5 =	simm.s32 @!p2 $0x0  }
0x1d: {  	s5 =	simm.s32 @p1 $0x1;
	p0 =	seq.s32 s7, s2  }
0x1e: {  	s7 =	smul.u32 @!p0 $0xF7A, s2;
	p2 =	seq.s32 @!p0 s5, $0x0  }
0x1f: {  	s9 =	smul.u32 $0xF7A, s1;
	s8 =	simm.s32 @!p0 $0x1BF5;
	p2 =	por !p2, p0  }
0x20: {  	[sflag:s8] =	ssyncset.s32 @!p0 $0xFFFFF086;
	s6 =	sadd.s32 @!p0 s3, s7;
	s7 =	simm.s32 @!p0 $0x108  }
0x21: {  	s3 =	sadd.s32 s3, s9;
	s6 =	sadd.s32 @!p0 $0x88, s6;
	s7 =	simm.s32 @p2 $0x1082  }
0x22: {  	[simem:s7], [sflag:s8] =	dma.local @!p0 [hbm:s6], $0xF7A  }
0x23: {  	s9 =	sor.u32 $0xD0000000, s2;
	s6 =	simm.s32 $0x108;
	_ =	swait.ge @!p0 [sflag:s8], $0x0  }
0x24: {  	s3 =	sadd.s32 $0x88, s3;
	s6 =	simm.s32 @!p1 $0x1082;
	[sflag:s4] =	ssyncset.s32 $0xFFFFF086  }
0x25: {  	[simem:s6], [sflag:s4] =	dma.local [hbm:s3], $0xF7A  }
0x26: {  	[smem:$0x3F99] =	sst s1;
	(tag) =	ssettag s2;
	_ =	strace s9  }
0x27: {  	s1 =	sld [smem:$0x3FA9]  }
0x28: {  	s2 =	sld [smem:$0x3FAA]  }
0x29: {  	s4 =	sld [smem:$0x3FAC]  }
0x2a: {  	p0 =	seq.s32 s5, $0x0;
	s5 =	sld [smem:$0x3FAD]  }
0x2b: {  	s6 =	sld [smem:$0x3FAE]  }
0x2c: {  	s7 =	sld [smem:$0x3FAF]  }
0x2d: {  	s3 =	simm.s32 $0x108;
	s8 =	sld [smem:$0x3FB0]  }
0x2e: {  	s3 =	simm.s32 @!p0 $0x1082;
	s9 =	sld [smem:$0x3FB1]  }
0x2f: {  	lr =	sadd.s32 s0, s3;
	s0 =	sld [smem:$0x3FA8]  }
0x30: {  	s3 =	sld [smem:$0x3FAB]  }
0x31: {  	[smem:$0x3FB4] =	sst s10  }
0x32: {  	s10 =	sld [smem:$0x3FB2];
	_ =	sdelay $0x3  }
0x33: {  	p0 =	seq.s32 s10, $0x1;
	s10 =	sld [smem:$0x3FB4];
	_ =	sdelay $0x3  }
0x34: {  	[smem:$0x3FB4] =	sst s10  }
0x35: {  	s10 =	sld [smem:$0x3FB3];
	_ =	sdelay $0x3  }
0x36: {  	p1 =	seq.s32 s10, $0x1;
	s10 =	sld [smem:$0x3FB4];
	_ =	sdelay $0x3  }
0x37: {  	[smem:$0x3FB4] =	sst s10  }
0x38: {  	s10 =	sld [smem:$0x3FB5]  }
0x39: {  	_ = 	snop;
	(pc) =	sbr.ind lr, $3  }
0x3a: {  	_ = 	snop  }
0x3b: {  	_ = 	snop  }
0x3c: {  	p2 =	seq.s32 s10, $0x1;
	s10 =	sld [smem:$0x3FB4]  }
0x3d: {  	_ =	shalt  }
0x3e: {  	_ =	shalt  }
0x3f: {  	_ =	shalt  }
0x40: {  	_ =	shalt  }
0x41: {  	_ =	shalt  }
0x42: {  	_ =	shalt  }
0x43: {  	_ =	shalt  }
0x44: {  	_ =	shalt  }
0x45: {  	_ =	shalt  }
0x46: {  	_ =	shalt  }
0x47: {  	_ =	shalt  }
0x48: {  	_ =	shalt  }
0x49: {  	_ =	shalt  }
0x4a: {  	_ =	shalt  }
0x4b: {  	_ =	shalt  }
0x4c: {  	_ =	shalt  }
0x4d: {  	_ =	shalt  }
0x4e: {  	_ =	shalt  }
0x4f: {  	_ =	shalt  }
0x50: {  	_ =	shalt  }
0x51: {  	_ =	shalt  }
0x52: {  	_ =	shalt  }
0x53: {  	_ =	shalt  }
0x54: {  	_ =	shalt  }
0x55: {  	_ =	shalt  }
0x56: {  	_ =	shalt  }
0x57: {  	_ =	shalt  }
0x58: {  	_ =	shalt  }
0x59: {  	_ =	shalt  }
0x5a: {  	_ =	shalt  }
0x5b: {  	_ =	shalt  }
0x5c: {  	_ =	shalt  }
0x5d: {  	_ =	shalt  }
0x5e: {  	_ =	shalt  }
0x5f: {  	_ =	shalt  }
0x60: {  	_ =	shalt  }
0x61: {  	_ =	shalt  }
0x62: {  	_ =	shalt  }
0x63: {  	_ =	shalt  }
0x64: {  	_ =	shalt  }
0x65: {  	_ =	shalt  }
0x66: {  	_ =	shalt  }
0x67: {  	_ =	shalt  }
0x68: {  	_ =	shalt  }
0x69: {  	_ =	shalt  }
0x6a: {  	_ =	shalt  }
0x6b: {  	_ =	shalt  }
0x6c: {  	_ =	shalt  }
0x6d: {  	_ =	shalt  }
0x6e: {  	_ =	shalt  }
0x6f: {  	_ =	shalt  }
0x70: {  	_ =	shalt  }
0x71: {  	_ =	shalt  }
0x72: {  	_ =	shalt  }
0x73: {  	_ =	shalt  }
0x74: {  	_ =	shalt  }
0x75: {  	_ =	shalt  }
0x76: {  	_ =	shalt  }
0x77: {  	_ =	shalt  }
0x78: {  	_ =	shalt  }
0x79: {  	_ =	shalt  }
0x7a: {  	_ =	shalt  }
0x7b: {  	_ =	shalt  }
0x7c: {  	_ =	shalt  }
0x7d: {  	_ =	shalt  }
0x7e: {  	_ =	shalt  }
0x7f: {  	_ =	shalt  }
0x80: {  	_ =	shalt  }
0x81: {  	_ =	shalt  }
0x82: {  	_ =	shalt  }
0x83: {  	_ =	shalt  }
0x84: {  	_ =	shalt  }
0x85: {  	_ =	shalt  }
0x86: {  	_ =	shalt  }
0x87: {  	_ =	shalt  }
.Lfunc_end0:
.L_simem_size_0:
called_computation.1_lowered:
.L_overlay_start_0:
0x88: {  	s2 =	sld [smem:$0x3FD9]  }
0x89: {  	s3 =	sld [smem:$0x3FFE];
	_ =	sdelay $0x1  }
0x8a: {  	s1 =	srdreg.scid  }
0x8b: {  	s0 =	sand.u32 $0x1, s1  }
0x8c: {  	s16 =	sshll.u32 s0, $0xA;
	s2 =	sadd.s32 s3, s2  }
0x8d: {  	s2 =	sadd.s32 s2, s16  }
0x8e: {  	[smem:$0x3FC0] =	sst s2  }
0x8f: {  	_ = 	snop  }
0x90: {  	(tm) =	ssettm $0x1  }
0x91: {  	s17 =	sld [smem:$0x3FFB];
	_ =	sdelay $0x3  }
0x92: {  	_ =	strace s17  }
0x93: {  	s2 =	sld [smem:$0x3FFC];
	_ =	sdelay $0x3  }
0x94: {  	_ =	strace s2  }
0x95: {  	s2 =	sld [smem:$0x3FFD];
	_ =	sdelay $0x3  }
0x96: {  	_ =	strace s2  }
0x97: {  	_ =	strace $0x8FFFFFFF  }
0x98: {  	s18 =	sld [smem:$0x3FDB];
	_ =	sdelay $0x1  }
0x99: {  	s19 =	simm.s32 $_scs_section_size  }
0x9a: {  	s4 =	simm.s32 $_size__tile_overlayer_lowered;
	s5 =	simm.s32 $_tile_overlayer_lowered  }
0x9b: {  	s22 =	simm.s32 $0x1BFF;
	s21 =	sshll.u32 s5, $0x1;
	s2 =	sadd.s32 s19, s18  }
0x9c: {  	s6 =	simm.s32 $0x0;
	s20 =	sshll.u32 s4, $0x1;
	s4 =	sadd.s32 s21, s2  }
0x9d: {  	[timem:s6], [sflag:s22] =	dma.local [hbm:s4], s20  }
0x9e: {  	_ =	swait.ge [sflag:s22], s20  }
0x9f: {  	s3 =	ssub.s32 $0x0, s20;
	[sflag:s22] =	ssyncset.done $0x0  }
0xa0: {  	[sflag:s22] =	ssyncadd.s32 s3;
	_ =	sdelay $0x1  }
0xa1: {  	s23 =	simm.s32 $0x1B8B  }
0xa2: {  	_ =	swait.ge [sflag:s23], $0x1  }
0xa3: {  	[sflag:s23] =	ssyncset.done $0x0  }
0xa4: {  	s25 =	simm.s32 $0x1B8E;
	s24 =	sld [smem:$0x3FFE];
	[sflag:s23] =	ssyncadd.s32 $0xFFFFFFFF  }
0xa5: {  	s26 =	simm.s32 $execute0_lowered;
	[smem:$0x3FD2] =	sst s25  }
0xa6: {  	s4 =	sshll.u32 s26, $0x1;
	_ =	strace $0x80000049;
	[dreg:$0x1] =	wrdreg $0xFFFFFFFF  }
0xa7: {  	s28 =	simm.s32 $_size_execute0_lowered;
	s2 =	sadd.s32 s2, s4;
	[dreg:$0x0] =	wrdreg $0x0  }
0xa8: {  	s4 =	sshll.u32 s28, $0x1;
	[dreg:$0x2] =	wrdreg s2  }
0xa9: {  	[dreg:$0x3] =	wrdreg s4  }
0xaa: {  	[dreg:$0x4] =	wrdreg $0xC0  }
0xab: {  	_ =	task [dreg:s6], $0x5FFFF  }
0xac: {  	[dreg:$0x1] =	wrdreg $0xFFFFFFFF  }
0xad: {  	[dreg:$0x0] =	wrdreg $0x60  }
0xae: {  	[dreg:$0x2] =	wrdreg s24  }
0xaf: {  	[dreg:$0x3] =	wrdreg $0x51000  }
0xb0: {  	[dreg:$0x4] =	wrdreg $0x9  }
0xb1: {  	_ =	task.clear_ibuf [dreg:s6], $0x5FFFF;
	_ =	strace $0x90000049  }
0xb2: {  	s29 =	simm.s32 $0x9;
	_ =	strace $0x8000004B  }
0xb3: {  	_ =	swait.ge [sflag:s29], $0x1  }
0xb4: {  	[sflag:s29] =	ssyncadd.s32 $0xFFFFFFFF  }
0xb5: {  	_ =	strace $0x9000004B  }
0xb6: {  	_ =	sfence  }
0xb7: {  	s30 =	sld [smem:$0x0];
	_ =	sdelay $0x2  }
0xb8: {  	s31 =	sshll.u32 s1, $0xD;
	s1 =	sshrl.u32 s1, $0x2  }
0xb9: {  	s3 =	sand.u32 $0x4000, s31;
	s1 =	sadd.s32 s1, s30  }
0xba: {  	s0 =	sor.u32 s3, s0;
	s1 =	sshll.u32 s1, $0x11  }
0xbb: {  	s0 =	sor.u32 s1, s0  }
0xbc: {  	s0 =	sadd.s32 $0x8F2B, s0  }
0xbd: {  	[sflag:s0] =	ssyncadd.remote.s32 $0x1  }
0xbe: {  	_ =	sfence.sel $0xFFFF  }
0xbf: {  	[dreg:$0x0] =	wrdreg $0xFFFFFFFF;
	(pc) =	sbr.abs _section_cstart, $3  }
0xc0: {  	[dreg:$0x1] =	wrdreg $0xFFFFFFFF  }
0xc1: {  	_ =	task.clear_ibuf [dreg:s6], $0x2FFFF;
	_ =	strace $0x9FFFFFFF  }
0xc2: {  	(tm) =	ssettm $0x7FFFFFFF  }
0xc3: {  	_ =	shalt  }
tec
execute0_lowered:
.L_overlay_start_1:
0x0: {  	(tag) =	ssettag $0x1  }
0x1: {  	s0 =	rddreg [dreg:$0x0];
	s1 =	stileid.u32  }
0x2: {  	s2 =	rddreg [dreg:$0x1];
	s3 =	simm.s32 $0x0;
	s5 =	smul.u32 $0x2800, s1  }
0x3: {  	s4 =	srdreg.scid;
	s28 =	simm.s32 $0x4;
	s7 =	smul.u32 $0x50000, s1  }
0x4: {  	s29 =	simm.s32 $0x6;
	s30 =	simm.s32 $0x0;
	s18 =	smul.u32 $0x4E200, s1  }
0x5: {  	[smem:$0x7FF] =	sst s3;
	s13 =	sand.u32 $0x1, s4;
	s19 =	smul.u32 $0x4E20, s1  }
0x6: {  	s14 =	sadd.s32 $0xEE4000, s0;
	s16 =	sadd.s32 $0xD000, s0;
	s4 =	smul.u32 $0x28000, s13  }
0x7: {  	s25 =	sshll.u32 s1, $0x1;
	_ =	strace $0x8000004A;
	s20 =	smul.u32 $0x2710, s13  }
0x8: {  	s26 =	ssub.s32 $0x2, s13;
	s22 =	smul.u32 $0x27100, s13;
	s6 =	sadd.s32 s5, s0  }
0x9: {  	s8 =	sshrl.u32 s26, $0x1;
	s7 =	sshrl.u32 s7, $0x2;
	s23 =	sadd.s32 s18, s14  }
0xa: {  	s4 =	sadd.s32 s5, s4;
	s5 =	sor.u32 s13, s25;
	s10 =	ssub.s32 s26, s8  }
0xb: {  	s17 =	sadd.s32 s7, s2;
	s24 =	sadd.s32 s20, s19;
	s19 =	simm.s32 $0x100  }
0xc: {  	s20 =	simm.s32 $0x80;
	s0 =	sadd.s32 s4, s0;
	s9 =	smul.u32 $0x2710, s5  }
0xd: {  	s31 =	smul.u32 $0x27100, s5;
	s5 =	sadd.s32 $0x16E00, s6;
	s6 =	sshll.u32 s1, $0x6  }
0xe: {  	s25 =	sadd.s32 $0x140, s24;
	s26 =	sadd.s32 $0xF0, s24;
	s17 =	sshrl.u32 s17, $0x3  }
0xf: {  	s24 =	simm.s32 $0x50;
	[dreg:$0x3] =	wrdreg s5;
	s5 =	sor.u32 $0x1C07, s6  }
0x10: {  	s18 =	sshrl.u32 s26, $0x3;
	s26 =	simm.s32 $0x2;
	s8 =	sshrl.u32 s9, $0x3  }
0x11: {  	s7 =	sadd.s32 s14, s31;
	s11 =	sadd.s32 $0x50, s9;
	s15 =	sadd.s32 $0xA0, s9  }
0x12: {  	s9 =	smax.u32 s10, $0x1;
	s31 =	sshrl.u32 s25, $0x3;
	s25 =	simm.s32 $0x5  }
0x13: {  	s6 =	sadd.s32 s16, s8;
	s8 =	sadd.s32 $0x3EE00, s0;
	s10 =	sshrl.u32 s11, $0x3  }
0x14: {  	s11 =	sshll.u32 s11, $0x4;
	s12 =	sshrl.u32 s15, $0x3;
	s21 =	sshll.u32 s15, $0x4  }
0x15: {  	s0 =	sadd.s32 s22, s23;
	s15 =	sadd.s32 s31, s16;
	s22 =	simm.s32 $0x1  }
0x16: {  	s23 =	simm.s32 $0x3;
	s10 =	sadd.s32 s16, s10;
	s11 =	sadd.s32 s14, s11  }
0x17: {  	s12 =	sadd.s32 s16, s12;
	s13 =	sadd.s32 s14, s21;
	s14 =	sadd.s32 $0x1400, s0  }
0x18: {  	s16 =	sadd.s32 s18, s16;
	s18 =	simm.s32 $0x7;
	s21 =	simm.s32 $0x2900  }
.LBB2_1:
0x19: {  	s0 =	rddreg [dreg:$0x3]  }
0x1a: {  	[spmem:s17], [sflag:s5] =	dma.local [hbm:s0], $0x2800  }
0x1b: {  	_ =	swait.ge [sflag:s18], $0x2800  }
0x1c: {  	[sflag:s18] =	ssyncset.done $0x0  }
0x1d: {  	[sflag:s18] =	ssyncadd.s32 $0xFFFFD800  }
0x1e: {  	[bflag:$0x0] =	sbarrier.arrive $0xFFFF  }
0x1f: {  	[tilespmem:s3], [sflag:$0x1] =	stream.linear.gather [hbm4b:s6+s3], $0x50, $0x38;
	[tilespmem:$0x19100] =	vst v63  }
0x20: {  	_ = 	snop  }
0x21: {  	[tilespmem:s19], [sflag:$0x3] =	stream.linear.gather [hbm4b:s7+s3], $0x2800, $0x38;
	[tilespmem:$0x19100] =	vst v63  }
0x22: {  	_ = 	snop  }
0x23: {  	[tilespmem:s20], [sflag:$0x2] =	stream.linear.gather [hbm4b:s10+s3], $0x50, $0x38;
	[tilespmem:$0x19100] =	vst v63  }
0x24: {  	_ = 	snop  }
0x25: {  	[tilespmem:s21], [sflag:$0x4] =	stream.linear.gather [hbm4b:s11+s3], $0x2800, $0x38;
	[tilespmem:$0x19100] =	vst v63  }
0x26: {  	_ =	swait.ge [sflag:s22], $0x50  }
0x27: {  	[sflag:s22] =	ssyncset.done $0x0  }
0x28: {  	[sflag:s22] =	ssyncadd.s32 $0xFFFFFFB0  }
0x29: {  	_ =	swait.ge [sflag:s23], $0x2800  }
0x2a: {  	[sflag:s23] =	ssyncset.done $0x0  }
0x2b: {  	[sflag:s23] =	ssyncadd.s32 $0xFFFFD800  }
0x2c: {  	[spmem:s2] =	stream.indirect.scatter.add.f32 [tilespmem:s19], [sflag:$0x5], $0x80, s3, s24, $0xb8;
	[tilespmem:$0x19100] =	vst v63  }
0x2d: {  	_ =	swait.ge [sflag:s25], $0x2800  }
0x2e: {  	[sflag:s25] =	ssyncset.done $0x0  }
0x2f: {  	[sflag:s25] =	ssyncadd.s32 $0xFFFFD800  }
0x30: {  	[tilespmem:s3], [sflag:$0x1] =	stream.linear.gather [hbm4b:s12+s3], $0x50, $0x38;
	[tilespmem:$0x19100] =	vst v63  }
0x31: {  	_ = 	snop  }
0x32: {  	[tilespmem:s19], [sflag:$0x3] =	stream.linear.gather [hbm4b:s13+s3], $0x2800, $0x38;
	[tilespmem:$0x19100] =	vst v63  }
0x33: {  	_ =	swait.ge [sflag:s26], $0x50  }
0x34: {  	[sflag:s26] =	ssyncset.done $0x0  }
0x35: {  	[sflag:s26] =	ssyncadd.s32 $0xFFFFFFB0  }
0x36: {  	_ =	swait.ge [sflag:s28], $0x2800  }
0x37: {  	[sflag:s28] =	ssyncset.done $0x0  }
0x38: {  	[sflag:s28] =	ssyncadd.s32 $0xFFFFD800  }
0x39: {  	[spmem:s2] =	stream.indirect.scatter.add.f32 [tilespmem:s21], [sflag:$0x6], $0x80, s20, s24, $0xb8;
	[tilespmem:$0x19100] =	vst v63  }
0x3a: {  	_ =	swait.ge [sflag:s29], $0x2800  }
0x3b: {  	[sflag:s29] =	ssyncset.done $0x0  }
0x3c: {  	s4 =	sadd.s32 $0x0, s16;
	[sflag:s29] =	ssyncadd.s32 $0xFFFFD800  }
0x3d: {  	[tilespmem:s20], [sflag:$0x2] =	stream.linear.gather [hbm4b:s4+s3], $0x50, $0x38;
	[tilespmem:$0x19100] =	vst v63  }
0x3e: {  	s1 =	sadd.s32 $0xFFFFFB00, s14  }
0x3f: {  	[tilespmem:s21], [sflag:$0x4] =	stream.linear.gather [hbm4b:s1+s3], $0x2800, $0x38;
	[tilespmem:$0x19100] =	vst v63  }
0x40: {  	_ =	swait.ge [sflag:s22], $0x50  }
0x41: {  	[sflag:s22] =	ssyncset.done $0x0  }
0x42: {  	[sflag:s22] =	ssyncadd.s32 $0xFFFFFFB0  }
0x43: {  	_ =	swait.ge [sflag:s23], $0x2800  }
0x44: {  	[sflag:s23] =	ssyncset.done $0x0  }
0x45: {  	[sflag:s23] =	ssyncadd.s32 $0xFFFFD800  }
0x46: {  	[spmem:s2] =	stream.indirect.scatter.add.f32 [tilespmem:s19], [sflag:$0x5], $0x80, s3, s24, $0xb8;
	[tilespmem:$0x19100] =	vst v63  }
0x47: {  	_ =	swait.ge [sflag:s25], $0x2800  }
0x48: {  	[sflag:s25] =	ssyncset.done $0x0  }
0x49: {  	s4 =	sadd.s32 $0x0, s15;
	[sflag:s25] =	ssyncadd.s32 $0xFFFFD800  }
0x4a: {  	[tilespmem:s3], [sflag:$0x1] =	stream.linear.gather [hbm4b:s4+s3], $0x50, $0x38;
	[tilespmem:$0x19100] =	vst v63  }
0x4b: {  	_ = 	snop  }
0x4c: {  	[tilespmem:s19], [sflag:$0x3] =	stream.linear.gather [hbm4b:s14+s3], $0x2800, $0x38;
	[tilespmem:$0x19100] =	vst v63  }
0x4d: {  	_ =	swait.ge [sflag:s26], $0x50  }
0x4e: {  	[sflag:s26] =	ssyncset.done $0x0  }
0x4f: {  	[sflag:s26] =	ssyncadd.s32 $0xFFFFFFB0  }
0x50: {  	_ =	swait.ge [sflag:s28], $0x2800  }
0x51: {  	[sflag:s28] =	ssyncset.done $0x0  }
0x52: {  	s31 =	simm.s32 $0x14;
	s0 =	sadd.s32 $0xA00, s14;
	[sflag:s28] =	ssyncadd.s32 $0xFFFFD800  }
.LBB2_2:
0x53: {  	[spmem:s2] =	stream.indirect.scatter.add.f32 [tilespmem:s21], [sflag:$0x6], $0x80, s20, s24, $0xb8;
	[tilespmem:$0x19100] =	vst v63  }
0x54: {  	s1 =	smov.u32 s31  }
0x55: {  	p0 =	sne.s32 s31, $0x4B0;
	s31 =	sadd.s32 $0x14, s31;
	_ =	swait.ge [sflag:s29], $0x2800  }
0x56: {  	[sflag:s29] =	ssyncset.done $0x0  }
0x57: {  	s4 =	sadd.s32 s1, s16;
	[sflag:s29] =	ssyncadd.s32 $0xFFFFD800  }
0x58: {  	[tilespmem:s20], [sflag:$0x2] =	stream.linear.gather [hbm4b:s4+s3], $0x50, $0x38;
	[tilespmem:$0x19100] =	vst v63  }
0x59: {  	s4 =	sadd.s32 $0xFFFFFB00, s0  }
0x5a: {  	[tilespmem:s21], [sflag:$0x4] =	stream.linear.gather [hbm4b:s4+s3], $0x2800, $0x38;
	[tilespmem:$0x19100] =	vst v63  }
0x5b: {  	_ =	swait.ge [sflag:s22], $0x50  }
0x5c: {  	[sflag:s22] =	ssyncset.done $0x0  }
0x5d: {  	[sflag:s22] =	ssyncadd.s32 $0xFFFFFFB0  }
0x5e: {  	_ =	swait.ge [sflag:s23], $0x2800  }
0x5f: {  	[sflag:s23] =	ssyncset.done $0x0  }
0x60: {  	[sflag:s23] =	ssyncadd.s32 $0xFFFFD800  }
0x61: {  	[spmem:s2] =	stream.indirect.scatter.add.f32 [tilespmem:s19], [sflag:$0x5], $0x80, s3, s24, $0xb8;
	[tilespmem:$0x19100] =	vst v63  }
0x62: {  	_ =	swait.ge [sflag:s25], $0x2800  }
0x63: {  	[sflag:s25] =	ssyncset.done $0x0  }
0x64: {  	s1 =	sadd.s32 s1, s15;
	[sflag:s25] =	ssyncadd.s32 $0xFFFFD800  }
0x65: {  	[tilespmem:s3], [sflag:$0x1] =	stream.linear.gather [hbm4b:s1+s3], $0x50, $0x38;
	[tilespmem:$0x19100] =	vst v63  }
0x66: {  	_ = 	snop  }
0x67: {  	[tilespmem:s19], [sflag:$0x3] =	stream.linear.gather [hbm4b:s0+s3], $0x2800, $0x38;
	[tilespmem:$0x19100] =	vst v63  }
0x68: {  	_ =	swait.ge [sflag:s26], $0x50  }
.Ltmp0:
0x69: {  	[sflag:s26] =	ssyncset.done $0x0;
	(pc) =	sbr.rel @p0 .LBB2_2-.Ltmp0, $4  }
0x6a: {  	[sflag:s26] =	ssyncadd.s32 $0xFFFFFFB0  }
0x6b: {  	_ =	swait.ge [sflag:s28], $0x2800  }
0x6c: {  	[sflag:s28] =	ssyncset.done $0x0  }
0x6d: {  	s0 =	sadd.s32 $0xA00, s0;
	[sflag:s28] =	ssyncadd.s32 $0xFFFFD800  }
0x6e: {  	[spmem:s2] =	stream.indirect.scatter.add.f32 [tilespmem:s21], [sflag:$0x6], $0x80, s20, s24, $0xb8;
	[tilespmem:$0x19100] =	vst v63  }
0x6f: {  	_ =	swait.ge [sflag:s22], $0x50  }
0x70: {  	[sflag:s22] =	ssyncset.done $0x0  }
0x71: {  	[sflag:s22] =	ssyncadd.s32 $0xFFFFFFB0  }
0x72: {  	_ =	swait.ge [sflag:s23], $0x2800  }
0x73: {  	[sflag:s23] =	ssyncset.done $0x0  }
0x74: {  	[sflag:s23] =	ssyncadd.s32 $0xFFFFD800  }
0x75: {  	_ =	swait.ge [sflag:s29], $0x2800  }
0x76: {  	[sflag:s29] =	ssyncset.done $0x0  }
0x77: {  	[sflag:s29] =	ssyncadd.s32 $0xFFFFD800  }
0x78: {  	[spmem:s2] =	stream.indirect.scatter.add.f32 [tilespmem:s19], [sflag:$0x5], $0x80, s3, s24, $0xb8;
	[tilespmem:$0x19100] =	vst v63  }
0x79: {  	_ =	swait.ge [sflag:s25], $0x2800  }
0x7a: {  	s30 =	sadd.s32 $0x1, s30;
	[sflag:s25] =	ssyncset.done $0x0  }
0x7b: {  	p0 =	sne.s32 s30, s9;
	[sflag:s25] =	ssyncadd.s32 $0xFFFFD800  }
.Ltmp1:
0x7c: {  	[bflag:$0x0] =	sbarrier.arrive $0xFFFF;
	(pc) =	sbr.rel @p0 .LBB2_1-.Ltmp1, $4  }
0x7d: {  	[hbm:s8], [sflag:s5] =	dma.local [spmem:s17], $0x2800  }
0x7e: {  	_ =	swait.ge [sflag:s18], $0x2800  }
0x7f: {  	[sflag:s18] =	ssyncset.done $0x0  }
0x80: {  	[sflag:s18] =	ssyncadd.s32 $0xFFFFD800  }
0x81: {  	_ =	sfence.sel $0x180000  }
0x82: {  	[bflag:$0x0] =	sbarrier.arrive $0xFFFF  }
0x83: {  	_ =	strace $0x9000004A  }
0x84: {  	s0 =	stileid.u32;
	[bflag:$0x2] =	sbarrier.arrive $0xFFFF  }
0x85: {  	p0 =	sne.s32 s0, $0x0;
	s0 =	rddreg [dreg:$0x2]  }
0x86: {  	s0 =	sadd.s32 @!p0 $0x100000, s0  }
0x87: {  	[sflag:s0] =	ssyncadd.tile.s32 @!p0 $0x1;
	_ =	shalt  }
.Lfunc_end2:
_tile_overlayer_lowered:
.L_overlay_start_2:
0x88: {  	(tag) =	ssettag $0x2  }
0x89: {  	s0 =	rddreg [dreg:$0x0];
	s2 =	stileid.u32  }
0x8a: {  	s1 =	rddreg [dreg:$0x1];
	p0 =	sne.s32 s2, $0x0  }
0x8b: {  	s3 =	rddreg [dreg:$0x2];
	[bflag:$0x3] =	sbarrier.arrive $0xFFFF;
	s2 =	simm.s32 @!p0 $0x1C07  }
0x8c: {  	[timem:s3], [sflag:s2] =	dma.local @!p0 [hbm:s0], s1  }
0x8d: {  	s0 =	simm.s32 @!p0 $0x7  }
0x8e: {  	_ =	swait.ge @!p0 [sflag:s0], s1  }
0x8f: {  	s1 =	ssub.s32 @!p0 $0x0, s1;
	[sflag:s0] =	ssyncset.done @!p0 $0x0  }
0x90: {  	[sflag:s0] =	ssyncadd.s32 @!p0 s1  }
0x91: {  	[bflag:$0x3] =	sbarrier.arrive $0xFFFF  }
0x92: {  	_ =	shalt  }

// kernel: kernel.8.cloned.1.call-start
scs
__scs_entry_jumppad:
0x0: {  	(pc) =	sbr.rel $0x88, $3  }
0x1: {  	(tag) =	ssettag $0x0;
	lr =	simm.s32 $0x1  }
0x2: {  	[smem:$0x3F99] =	sst lr;
	_ =	strace $0xD0000000  }
0x3: {  	_ = 	snop  }
0x4: {  	_ = 	snop  }
0x5: {  	_ = 	snop  }
0x6: {  	_ = 	snop  }
0x7: {  	_ = 	snop  }
__scs_overlays_trampoline_lowered:
0x8: {  	[smem:$0x3FA8] =	sst s0  }
0x9: {  	[smem:$0x3FA9] =	sst s1  }
0xa: {  	[smem:$0x3FAA] =	sst s2  }
0xb: {  	[smem:$0x3FAB] =	sst s3  }
0xc: {  	[smem:$0x3FAC] =	sst s4  }
0xd: {  	[smem:$0x3FAD] =	sst s5  }
0xe: {  	[smem:$0x3FAE] =	sst s6  }
0xf: {  	[smem:$0x3FAF] =	sst s7  }
0x10: {  	[smem:$0x3FB0] =	sst s8  }
0x11: {  	[smem:$0x3FB1] =	sst s9;
	s0 =	simm.s32 @!p0 $0x0  }
0x12: {  	s1 =	sld [smem:$0x3F97];
	s0 =	simm.s32 @p0 $0x1  }
0x13: {  	[smem:$0x3FB2] =	sst s0;
	s0 =	simm.s32 @!p1 $0x0  }
0x14: {  	s2 =	sld [smem:$0x3F96];
	s0 =	simm.s32 @p1 $0x1  }
0x15: {  	[smem:$0x3FB3] =	sst s0;
	s0 =	simm.s32 @!p2 $0x0  }
0x16: {  	s3 =	sld [smem:$0x3FDB];
	s0 =	simm.s32 @p2 $0x1  }
0x17: {  	s4 =	simm.s32 $0x1BF5;
	[smem:$0x3FB5] =	sst s0  }
0x18: {  	s0 =	sld [smem:$0x3F98];
	_ =	swait.ge [sflag:s4], $0x0  }
0x19: {  	s7 =	sld [smem:$0x3F99]  }
0x1a: {  	s8 =	sadd.s32 $0xFFFFE003, lr  }
0x1b: {  	s9 =	sadd.s32 $0xFFFFFEF7, lr;
	s5 =	simm.s32 $0xFFFFFFFF;
	p2 =	slt.u32 s8, $0xFFFFF086  }
0x1c: {  	p1 =	slt.u32 s9, $0xF7A;
	s5 =	simm.s32 @!p2 $0x0  }
0x1d: {  	s5 =	simm.s32 @p1 $0x1;
	p0 =	seq.s32 s7, s2  }
0x1e: {  	s7 =	smul.u32 @!p0 $0xF7A, s2;
	p2 =	seq.s32 @!p0 s5, $0x0  }
0x1f: {  	s9 =	smul.u32 $0xF7A, s1;
	s8 =	simm.s32 @!p0 $0x1BF5;
	p2 =	por !p2, p0  }
0x20: {  	[sflag:s8] =	ssyncset.s32 @!p0 $0xFFFFF086;
	s6 =	sadd.s32 @!p0 s3, s7;
	s7 =	simm.s32 @!p0 $0x108  }
0x21: {  	s3 =	sadd.s32 s3, s9;
	s6 =	sadd.s32 @!p0 $0x88, s6;
	s7 =	simm.s32 @p2 $0x1082  }
0x22: {  	[simem:s7], [sflag:s8] =	dma.local @!p0 [hbm:s6], $0xF7A  }
0x23: {  	s9 =	sor.u32 $0xD0000000, s2;
	s6 =	simm.s32 $0x108;
	_ =	swait.ge @!p0 [sflag:s8], $0x0  }
0x24: {  	s3 =	sadd.s32 $0x88, s3;
	s6 =	simm.s32 @!p1 $0x1082;
	[sflag:s4] =	ssyncset.s32 $0xFFFFF086  }
0x25: {  	[simem:s6], [sflag:s4] =	dma.local [hbm:s3], $0xF7A  }
0x26: {  	[smem:$0x3F99] =	sst s1;
	(tag) =	ssettag s2;
	_ =	strace s9  }
0x27: {  	s1 =	sld [smem:$0x3FA9]  }
0x28: {  	s2 =	sld [smem:$0x3FAA]  }
0x29: {  	s4 =	sld [smem:$0x3FAC]  }
0x2a: {  	p0 =	seq.s32 s5, $0x0;
	s5 =	sld [smem:$0x3FAD]  }
0x2b: {  	s6 =	sld [smem:$0x3FAE]  }
0x2c: {  	s7 =	sld [smem:$0x3FAF]  }
0x2d: {  	s3 =	simm.s32 $0x108;
	s8 =	sld [smem:$0x3FB0]  }
0x2e: {  	s3 =	simm.s32 @!p0 $0x1082;
	s9 =	sld [smem:$0x3FB1]  }
0x2f: {  	lr =	sadd.s32 s0, s3;
	s0 =	sld [smem:$0x3FA8]  }
0x30: {  	s3 =	sld [smem:$0x3FAB]  }
0x31: {  	[smem:$0x3FB4] =	sst s10  }
0x32: {  	s10 =	sld [smem:$0x3FB2];
	_ =	sdelay $0x3  }
0x33: {  	p0 =	seq.s32 s10, $0x1;
	s10 =	sld [smem:$0x3FB4];
	_ =	sdelay $0x3  }
0x34: {  	[smem:$0x3FB4] =	sst s10  }
0x35: {  	s10 =	sld [smem:$0x3FB3];
	_ =	sdelay $0x3  }
0x36: {  	p1 =	seq.s32 s10, $0x1;
	s10 =	sld [smem:$0x3FB4];
	_ =	sdelay $0x3  }
0x37: {  	[smem:$0x3FB4] =	sst s10  }
0x38: {  	s10 =	sld [smem:$0x3FB5]  }
0x39: {  	_ = 	snop;
	(pc) =	sbr.ind lr, $3  }
0x3a: {  	_ = 	snop  }
0x3b: {  	_ = 	snop  }
0x3c: {  	p2 =	seq.s32 s10, $0x1;
	s10 =	sld [smem:$0x3FB4]  }
0x3d: {  	_ =	shalt  }
0x3e: {  	_ =	shalt  }
0x3f: {  	_ =	shalt  }
0x40: {  	_ =	shalt  }
0x41: {  	_ =	shalt  }
0x42: {  	_ =	shalt  }
0x43: {  	_ =	shalt  }
0x44: {  	_ =	shalt  }
0x45: {  	_ =	shalt  }
0x46: {  	_ =	shalt  }
0x47: {  	_ =	shalt  }
0x48: {  	_ =	shalt  }
0x49: {  	_ =	shalt  }
0x4a: {  	_ =	shalt  }
0x4b: {  	_ =	shalt  }
0x4c: {  	_ =	shalt  }
0x4d: {  	_ =	shalt  }
0x4e: {  	_ =	shalt  }
0x4f: {  	_ =	shalt  }
0x50: {  	_ =	shalt  }
0x51: {  	_ =	shalt  }
0x52: {  	_ =	shalt  }
0x53: {  	_ =	shalt  }
0x54: {  	_ =	shalt  }
0x55: {  	_ =	shalt  }
0x56: {  	_ =	shalt  }
0x57: {  	_ =	shalt  }
0x58: {  	_ =	shalt  }
0x59: {  	_ =	shalt  }
0x5a: {  	_ =	shalt  }
0x5b: {  	_ =	shalt  }
0x5c: {  	_ =	shalt  }
0x5d: {  	_ =	shalt  }
0x5e: {  	_ =	shalt  }
0x5f: {  	_ =	shalt  }
0x60: {  	_ =	shalt  }
0x61: {  	_ =	shalt  }
0x62: {  	_ =	shalt  }
0x63: {  	_ =	shalt  }
0x64: {  	_ =	shalt  }
0x65: {  	_ =	shalt  }
0x66: {  	_ =	shalt  }
0x67: {  	_ =	shalt  }
0x68: {  	_ =	shalt  }
0x69: {  	_ =	shalt  }
0x6a: {  	_ =	shalt  }
0x6b: {  	_ =	shalt  }
0x6c: {  	_ =	shalt  }
0x6d: {  	_ =	shalt  }
0x6e: {  	_ =	shalt  }
0x6f: {  	_ =	shalt  }
0x70: {  	_ =	shalt  }
0x71: {  	_ =	shalt  }
0x72: {  	_ =	shalt  }
0x73: {  	_ =	shalt  }
0x74: {  	_ =	shalt  }
0x75: {  	_ =	shalt  }
0x76: {  	_ =	shalt  }
0x77: {  	_ =	shalt  }
0x78: {  	_ =	shalt  }
0x79: {  	_ =	shalt  }
0x7a: {  	_ =	shalt  }
0x7b: {  	_ =	shalt  }
0x7c: {  	_ =	shalt  }
0x7d: {  	_ =	shalt  }
0x7e: {  	_ =	shalt  }
0x7f: {  	_ =	shalt  }
0x80: {  	_ =	shalt  }
0x81: {  	_ =	shalt  }
0x82: {  	_ =	shalt  }
0x83: {  	_ =	shalt  }
0x84: {  	_ =	shalt  }
0x85: {  	_ =	shalt  }
0x86: {  	_ =	shalt  }
0x87: {  	_ =	shalt  }
.Lfunc_end0:
.L_simem_size_0:
called_computation_lowered:
.L_overlay_start_0:
0x88: {  	s2 =	sld [smem:$0x3FD9]  }
0x89: {  	s3 =	sld [smem:$0x3FFE];
	_ =	sdelay $0x1  }
0x8a: {  	s1 =	srdreg.scid  }
0x8b: {  	s0 =	sand.u32 $0x1, s1  }
0x8c: {  	s17 =	sshll.u32 s0, $0xA;
	s2 =	sadd.s32 s3, s2  }
0x8d: {  	s2 =	sadd.s32 s2, s17  }
0x8e: {  	[smem:$0x3FC0] =	sst s2  }
0x8f: {  	_ = 	snop  }
0x90: {  	s2 =	sld [smem:$0x3FD0];
	(tm) =	ssettm $0x1  }
0x91: {  	s18 =	sld [smem:$0x3FFB];
	_ =	sdelay $0x3  }
0x92: {  	_ =	strace s18  }
0x93: {  	s3 =	sld [smem:$0x3FFC];
	_ =	sdelay $0x3  }
0x94: {  	_ =	strace s3  }
0x95: {  	s3 =	sld [smem:$0x3FFD];
	_ =	sdelay $0x3  }
0x96: {  	_ =	strace s3  }
0x97: {  	_ =	strace $0x8FFFFFFF  }
0x98: {  	s19 =	sld [smem:$0x3FDB];
	_ =	sdelay $0x1  }
0x99: {  	s4 =	simm.s32 $_scs_section_size  }
0x9a: {  	s5 =	simm.s32 $_size__tile_overlayer_lowered;
	s6 =	simm.s32 $_tile_overlayer_lowered  }
0x9b: {  	s22 =	simm.s32 $0x1BFF;
	s21 =	sshll.u32 s6, $0x1;
	s3 =	sadd.s32 s4, s19  }
0x9c: {  	s7 =	simm.s32 $0x0;
	s20 =	sshll.u32 s5, $0x1;
	s5 =	sadd.s32 s21, s3  }
0x9d: {  	[timem:s7], [sflag:s22] =	dma.local [hbm:s5], s20  }
0x9e: {  	_ =	swait.ge [sflag:s22], s20  }
0x9f: {  	s4 =	ssub.s32 $0x0, s20;
	[sflag:s22] =	ssyncset.done $0x0  }
0xa0: {  	[sflag:s22] =	ssyncadd.s32 s4;
	_ =	sdelay $0x1  }
0xa1: {  	s23 =	simm.s32 $0x1B8B  }
0xa2: {  	_ =	swait.ge [sflag:s23], $0x1  }
0xa3: {  	[sflag:s23] =	ssyncset.done $0x0  }
0xa4: {  	s25 =	simm.s32 $0x1B8E;
	s24 =	sld [smem:$0x3FFE];
	[sflag:s23] =	ssyncadd.s32 $0xFFFFFFFF  }
0xa5: {  	s26 =	simm.s32 $execute0_lowered;
	[smem:$0x3FD2] =	sst s25  }
0xa6: {  	s5 =	sshll.u32 s26, $0x1;
	_ =	strace $0x80000046;
	[dreg:$0x1] =	wrdreg $0xFFFFFFFF  }
0xa7: {  	s28 =	simm.s32 $_size_execute0_lowered;
	s3 =	sadd.s32 s3, s5;
	[dreg:$0x0] =	wrdreg $0x0  }
0xa8: {  	s5 =	sshll.u32 s28, $0x1;
	[dreg:$0x2] =	wrdreg s3  }
0xa9: {  	[dreg:$0x3] =	wrdreg s5  }
0xaa: {  	[dreg:$0x4] =	wrdreg $0xC0  }
0xab: {  	_ =	task [dreg:s7], $0x5FFFF  }
0xac: {  	[dreg:$0x1] =	wrdreg $0xFFFFFFFF  }
0xad: {  	[dreg:$0x0] =	wrdreg $0x60  }
0xae: {  	[dreg:$0x2] =	wrdreg s2  }
0xaf: {  	[dreg:$0x3] =	wrdreg s24  }
0xb0: {  	[dreg:$0x4] =	wrdreg $0x9  }
0xb1: {  	_ =	task.clear_ibuf [dreg:s7], $0x5FFFF;
	_ =	strace $0x90000046  }
0xb2: {  	s29 =	simm.s32 $0x9;
	_ =	strace $0x80000048  }
0xb3: {  	_ =	swait.ge [sflag:s29], $0x1  }
0xb4: {  	[sflag:s29] =	ssyncadd.s32 $0xFFFFFFFF  }
0xb5: {  	_ =	strace $0x90000048  }
0xb6: {  	_ =	sfence  }
0xb7: {  	s30 =	sld [smem:$0x0];
	_ =	sdelay $0x2  }
0xb8: {  	s31 =	sshll.u32 s1, $0xD;
	s1 =	sshrl.u32 s1, $0x2  }
0xb9: {  	s3 =	sand.u32 $0x4000, s31;
	s1 =	sadd.s32 s1, s30  }
0xba: {  	s0 =	sor.u32 s3, s0;
	s1 =	sshll.u32 s1, $0x11  }
0xbb: {  	s0 =	sor.u32 s1, s0  }
0xbc: {  	s0 =	sadd.s32 $0x8F2B, s0  }
0xbd: {  	[sflag:s0] =	ssyncadd.remote.s32 $0x1  }
0xbe: {  	_ =	sfence.sel $0xFFFF  }
0xbf: {  	[dreg:$0x0] =	wrdreg $0xFFFFFFFF;
	(pc) =	sbr.abs _section_cstart, $3  }
0xc0: {  	[dreg:$0x1] =	wrdreg $0xFFFFFFFF  }
0xc1: {  	_ =	task.clear_ibuf [dreg:s7], $0x2FFFF;
	_ =	strace $0x9FFFFFFF  }
0xc2: {  	(tm) =	ssettm $0x7FFFFFFF  }
0xc3: {  	_ =	shalt  }
tec
execute0_lowered:
.L_overlay_start_1:
0x0: {  	(tag) =	ssettag $0x1  }
0x1: {  	s2 =	rddreg [dreg:$0x0]  }
0x2: {  	s0 =	srdreg.scid;
	s11 =	stileid.u32  }
0x3: {  	s1 =	rddreg [dreg:$0x1];
	s3 =	simm.s32 $0x0;
	s17 =	simm.s32 $0x9  }
0x4: {  	s18 =	simm.s32 $0x2780;
	s19 =	simm.s32 $0x50;
	s28 =	simm.s32 $0x5  }
0x5: {  	s29 =	simm.s32 $0x7;
	s30 =	simm.s32 $0x8;
	s31 =	simm.s32 $0x0  }
0x6: {  	s0 =	sand.u32 $0x1, s0;
	s4 =	sshll.u32 s11, $0x1;
	s26 =	smul.u32 $0x4E200, s11  }
0x7: {  	[smem:$0x7FF] =	sst s3;
	s5 =	sor.u32 s0, s4;
	s14 =	smul.u32 $0x27100, s0  }
0x8: {  	s8 =	sadd.s32 $0x3E000, s1;
	_ =	strace $0x80000047;
	s6 =	smul.u32 $0x2710, s5  }
0x9: {  	s4 =	sadd.s32 $0x16E00, s1;
	s9 =	ssub.s32 $0x2, s0;
	s7 =	smul.u32 $0x138800, s5  }
0xa: {  	s0 =	simm.s32 $0x4;
	s10 =	sshrl.u32 s9, $0x1;
	s5 =	smul.u32 $0x27100, s5  }
0xb: {  	s15 =	sadd.s32 s26, s8;
	s9 =	ssub.s32 s9, s10;
	s6 =	sshrl.u32 s6, $0x3  }
0xc: {  	s7 =	sshrl.u32 s7, $0x3;
	s23 =	smax.u32 s9, $0x1;
	s24 =	sadd.s32 s8, s5  }
0xd: {  	s6 =	sadd.s32 s6, s1;
	s1 =	sadd.s32 $0x520000, s1;
	[dreg:$0x7] =	wrdreg s23  }
0xe: {  	s7 =	sadd.s32 $0x26C00, s7;
	[dreg:$0x8] =	wrdreg s24;
	s20 =	sadd.s32 $0xD000, s6  }
0xf: {  	s24 =	simm.s32 $0xC700;
	s6 =	sadd.s32 $0x3200, s6;
	[dreg:$0x3] =	wrdreg s20  }
0x10: {  	s23 =	simm.s32 $0x6;
	s21 =	sadd.s32 s8, s7;
	[dreg:$0x4] =	wrdreg s6  }
0x11: {  	s22 =	sadd.s32 s1, s7;
	s25 =	sadd.s32 s1, s5;
	[dreg:$0x5] =	wrdreg s21  }
0x12: {  	s5 =	sadd.s32 $0x500, s5;
	s16 =	sadd.s32 s26, s1;
	[dreg:$0x6] =	wrdreg s22  }
0x13: {  	s26 =	simm.s32 $0x3;
	[dreg:$0x9] =	wrdreg s25;
	s12 =	sadd.s32 s8, s5  }
0x14: {  	s13 =	sadd.s32 s1, s5;
	s20 =	simm.s32 $0x4F00;
	s21 =	simm.s32 $0x9F00  }
0x15: {  	s22 =	simm.s32 $0x7700;
	s25 =	simm.s32 $0x1;
	s1 =	simm.s32 $0x2  }
.LBB2_1:
0x16: {  	s5 =	rddreg [dreg:$0x3]  }
0x17: {  	[tilespmem:s3], [sflag:$0x9] =	stream.linear.gather [hbm4b:s5+s3], $0x2710, $0x38;
	[tilespmem:$0xEF00] =	vst v63  }
0x18: {  	_ =	swait.ge [sflag:s17], $0x2710  }
0x19: {  	[sflag:s17] =	ssyncset.done $0x0  }
0x1a: {  	s6 =	rddreg [dreg:$0x4];
	[sflag:s17] =	ssyncadd.s32 $0xFFFFD8F0  }
0x1b: {  	[tilespmem:s18], [sflag:$0x9] =	stream.linear.gather [hbm4b:s6+s3], $0x2710, $0x38;
	[tilespmem:$0xEF00] =	vst v63  }
0x1c: {  	_ =	swait.ge [sflag:s17], $0x2710  }
0x1d: {  	[sflag:s17] =	ssyncset.done $0x0  }
0x1e: {  	[sflag:s17] =	ssyncadd.s32 $0xFFFFD8F0  }
0x1f: {  	[tilespmem:s20], [sflag:$0x1] =	stream.indirect.gather [hbm4b:s2+s19], $0x80, s3, s19, $0xb8;
	[tilespmem:$0xEF00] =	vst v63  }
0x20: {  	_ = 	snop  }
0x21: {  	[tilespmem:s21], [sflag:$0x3] =	stream.indirect.gather [hbm4b:s4+s19], $0x80, s18, s19, $0xb8;
	[tilespmem:$0xEF00] =	vst v63  }
0x22: {  	_ = 	snop  }
0x23: {  	[tilespmem:s22], [sflag:$0x2] =	stream.indirect.gather [hbm4b:s2+s19], $0x80, s19, s19, $0xb8;
	[tilespmem:$0xEF00] =	vst v63  }
0x24: {  	s7 =	simm.s32 $0x27D0  }
0x25: {  	[tilespmem:s24], [sflag:$0x4] =	stream.indirect.gather [hbm4b:s4+s19], $0x80, s7, s19, $0xb8;
	[tilespmem:$0xEF00] =	vst v63  }
0x26: {  	_ =	swait.ge [sflag:s25], $0x2800  }
0x27: {  	[sflag:s25] =	ssyncset.done $0x0  }
0x28: {  	[sflag:s25] =	ssyncadd.s32 $0xFFFFD800  }
0x29: {  	_ =	swait.ge [sflag:s26], $0x2800  }
0x2a: {  	[sflag:s26] =	ssyncset.done $0x0  }
0x2b: {  	s8 =	rddreg [dreg:$0x8];
	[sflag:s26] =	ssyncadd.s32 $0xFFFFD800  }
0x2c: {  	[hbm4b:s8+s3] =	stream.linear.scatter [tilespmem:s20], [sflag:$0x5], $0x2800, $0x38;
	[tilespmem:$0xEF00] =	vst v63  }
0x2d: {  	s9 =	rddreg [dreg:$0x9]  }
0x2e: {  	[hbm4b:s9+s3] =	stream.linear.scatter [tilespmem:s21], [sflag:$0x7], $0x2800, $0x38;
	[tilespmem:$0xEF00] =	vst v63  }
0x2f: {  	_ =	swait.ge [sflag:s28], $0x2800  }
0x30: {  	[sflag:s28] =	ssyncset.done $0x0  }
0x31: {  	[sflag:s28] =	ssyncadd.s32 $0xFFFFD800  }
0x32: {  	_ =	swait.ge [sflag:s29], $0x2800  }
0x33: {  	[sflag:s29] =	ssyncset.done $0x0  }
0x34: {  	s10 =	simm.s32 $0xA0;
	[sflag:s29] =	ssyncadd.s32 $0xFFFFD800  }
0x35: {  	[tilespmem:s20], [sflag:$0x1] =	stream.indirect.gather [hbm4b:s2+s19], $0x80, s10, s19, $0xb8;
	[tilespmem:$0xEF00] =	vst v63  }
0x36: {  	s11 =	simm.s32 $0x2820  }
0x37: {  	[tilespmem:s21], [sflag:$0x3] =	stream.indirect.gather [hbm4b:s4+s19], $0x80, s11, s19, $0xb8;
	[tilespmem:$0xEF00] =	vst v63  }
0x38: {  	_ =	swait.ge [sflag:s1], $0x2800  }
0x39: {  	[sflag:s1] =	ssyncset.done $0x0  }
0x3a: {  	[sflag:s1] =	ssyncadd.s32 $0xFFFFD800  }
0x3b: {  	_ =	swait.ge [sflag:s0], $0x2800  }
0x3c: {  	[sflag:s0] =	ssyncset.done $0x0  }
0x3d: {  	[sflag:s0] =	ssyncadd.s32 $0xFFFFD800  }
0x3e: {  	[hbm4b:s12+s3] =	stream.linear.scatter [tilespmem:s22], [sflag:$0x6], $0x2800, $0x38;
	[tilespmem:$0xEF00] =	vst v63  }
0x3f: {  	_ = 	snop  }
0x40: {  	[hbm4b:s13+s3] =	stream.linear.scatter [tilespmem:s24], [sflag:$0x8], $0x2800, $0x38;
	[tilespmem:$0xEF00] =	vst v63  }
0x41: {  	_ =	swait.ge [sflag:s23], $0x2800  }
0x42: {  	[sflag:s23] =	ssyncset.done $0x0  }
0x43: {  	[sflag:s23] =	ssyncadd.s32 $0xFFFFD800  }
0x44: {  	_ =	swait.ge [sflag:s30], $0x2800  }
0x45: {  	[sflag:s30] =	ssyncset.done $0x0  }
0x46: {  	s6 =	simm.s32 $0xF0;
	[sflag:s30] =	ssyncadd.s32 $0xFFFFD800  }
0x47: {  	[tilespmem:s22], [sflag:$0x2] =	stream.indirect.gather [hbm4b:s2+s19], $0x80, s6, s19, $0xb8;
	[tilespmem:$0xEF00] =	vst v63  }
0x48: {  	s7 =	simm.s32 $0x2870  }
0x49: {  	[tilespmem:s24], [sflag:$0x4] =	stream.indirect.gather [hbm4b:s4+s19], $0x80, s7, s19, $0xb8;
	[tilespmem:$0xEF00] =	vst v63  }
0x4a: {  	_ =	swait.ge [sflag:s25], $0x2800  }
0x4b: {  	[sflag:s25] =	ssyncset.done $0x0  }
0x4c: {  	[sflag:s25] =	ssyncadd.s32 $0xFFFFD800  }
0x4d: {  	_ =	swait.ge [sflag:s26], $0x2800  }
0x4e: {  	s8 =	sadd.s32 s15, s14;
	[sflag:s26] =	ssyncset.done $0x0  }
0x4f: {  	s6 =	sadd.s32 $0xA00, s8;
	s7 =	sadd.s32 s16, s14;
	[sflag:s26] =	ssyncadd.s32 $0xFFFFD800  }
0x50: {  	[hbm4b:s6+s3] =	stream.linear.scatter [tilespmem:s20], [sflag:$0x5], $0x2800, $0x38;
	[tilespmem:$0xEF00] =	vst v63  }
0x51: {  	s9 =	sadd.s32 $0xA00, s7  }
0x52: {  	[hbm4b:s9+s3] =	stream.linear.scatter [tilespmem:s21], [sflag:$0x7], $0x2800, $0x38;
	[tilespmem:$0xEF00] =	vst v63  }
0x53: {  	_ =	swait.ge [sflag:s28], $0x2800  }
0x54: {  	[sflag:s28] =	ssyncset.done $0x0  }
0x55: {  	[sflag:s28] =	ssyncadd.s32 $0xFFFFD800  }
0x56: {  	_ =	swait.ge [sflag:s29], $0x2800  }
0x57: {  	[sflag:s29] =	ssyncset.done $0x0  }
0x58: {  	s10 =	simm.s32 $0x140;
	[sflag:s29] =	ssyncadd.s32 $0xFFFFD800  }
0x59: {  	[tilespmem:s20], [sflag:$0x1] =	stream.indirect.gather [hbm4b:s2+s19], $0x80, s10, s19, $0xb8;
	[tilespmem:$0xEF00] =	vst v63  }
0x5a: {  	s11 =	simm.s32 $0x28C0  }
0x5b: {  	[tilespmem:s21], [sflag:$0x3] =	stream.indirect.gather [hbm4b:s4+s19], $0x80, s11, s19, $0xb8;
	[tilespmem:$0xEF00] =	vst v63  }
0x5c: {  	_ =	swait.ge [sflag:s1], $0x2800  }
0x5d: {  	[sflag:s1] =	ssyncset.done $0x0  }
0x5e: {  	[sflag:s1] =	ssyncadd.s32 $0xFFFFD800  }
0x5f: {  	_ =	swait.ge [sflag:s0], $0x2800  }
0x60: {  	[sflag:s0] =	ssyncset.done $0x0  }
0x61: {  	s5 =	sadd.s32 $0xF00, s8;
	s8 =	sadd.s32 $0xF00, s7;
	[sflag:s0] =	ssyncadd.s32 $0xFFFFD800  }
0x62: {  	[hbm4b:s5+s3] =	stream.linear.scatter [tilespmem:s22], [sflag:$0x6], $0x2800, $0x38;
	[tilespmem:$0xEF00] =	vst v63  }
0x63: {  	s7 =	sadd.s32 $0xA00, s16;
	s6 =	sadd.s32 $0xA00, s15;
	s5 =	simm.s32 $0x280  }
.LBB2_2:
0x64: {  	[hbm4b:s8+s3] =	stream.linear.scatter [tilespmem:s24], [sflag:$0x8], $0x2800, $0x38;
	[tilespmem:$0xEF00] =	vst v63  }
0x65: {  	s8 =	smov.u32 s5  }
0x66: {  	p0 =	sne.s32 s5, $0x9600;
	s5 =	sadd.s32 $0x280, s5;
	_ =	swait.ge [sflag:s23], $0x2800  }
0x67: {  	[sflag:s23] =	ssyncset.done $0x0  }
0x68: {  	[sflag:s23] =	ssyncadd.s32 $0xFFFFD800  }
0x69: {  	_ =	swait.ge [sflag:s30], $0x2800  }
0x6a: {  	s8 =	sshra.s32 s8, $0x2;
	[sflag:s30] =	ssyncset.done $0x0  }
0x6b: {  	s9 =	sadd.s32 $0xF0, s8;
	[sflag:s30] =	ssyncadd.s32 $0xFFFFD800  }
0x6c: {  	[tilespmem:s22], [sflag:$0x2] =	stream.indirect.gather [hbm4b:s2+s19], $0x80, s9, s19, $0xb8;
	[tilespmem:$0xEF00] =	vst v63  }
0x6d: {  	s9 =	sadd.s32 $0x2870, s8  }
0x6e: {  	[tilespmem:s24], [sflag:$0x4] =	stream.indirect.gather [hbm4b:s4+s19], $0x80, s9, s19, $0xb8;
	[tilespmem:$0xEF00] =	vst v63  }
0x6f: {  	_ =	swait.ge [sflag:s25], $0x2800  }
0x70: {  	[sflag:s25] =	ssyncset.done $0x0  }
0x71: {  	[sflag:s25] =	ssyncadd.s32 $0xFFFFD800  }
0x72: {  	_ =	swait.ge [sflag:s26], $0x2800  }
0x73: {  	s9 =	sadd.s32 s6, s14;
	[sflag:s26] =	ssyncset.done $0x0  }
0x74: {  	s11 =	sadd.s32 s7, s14;
	s10 =	sadd.s32 $0xA00, s9;
	[sflag:s26] =	ssyncadd.s32 $0xFFFFD800  }
0x75: {  	[hbm4b:s10+s3] =	stream.linear.scatter [tilespmem:s20], [sflag:$0x5], $0x2800, $0x38;
	[tilespmem:$0xEF00] =	vst v63  }
0x76: {  	s10 =	sadd.s32 $0xA00, s11  }
0x77: {  	[hbm4b:s10+s3] =	stream.linear.scatter [tilespmem:s21], [sflag:$0x7], $0x2800, $0x38;
	[tilespmem:$0xEF00] =	vst v63  }
0x78: {  	_ =	swait.ge [sflag:s28], $0x2800  }
0x79: {  	[sflag:s28] =	ssyncset.done $0x0  }
0x7a: {  	[sflag:s28] =	ssyncadd.s32 $0xFFFFD800  }
0x7b: {  	_ =	swait.ge [sflag:s29], $0x2800  }
0x7c: {  	[sflag:s29] =	ssyncset.done $0x0  }
0x7d: {  	s10 =	sadd.s32 $0x140, s8;
	[sflag:s29] =	ssyncadd.s32 $0xFFFFD800  }
0x7e: {  	[tilespmem:s20], [sflag:$0x1] =	stream.indirect.gather [hbm4b:s2+s19], $0x80, s10, s19, $0xb8;
	[tilespmem:$0xEF00] =	vst v63  }
0x7f: {  	s8 =	sadd.s32 $0x28C0, s8  }
0x80: {  	[tilespmem:s21], [sflag:$0x3] =	stream.indirect.gather [hbm4b:s4+s19], $0x80, s8, s19, $0xb8;
	[tilespmem:$0xEF00] =	vst v63  }
0x81: {  	_ =	swait.ge [sflag:s1], $0x2800  }
0x82: {  	[sflag:s1] =	ssyncset.done $0x0  }
0x83: {  	[sflag:s1] =	ssyncadd.s32 $0xFFFFD800  }
.Ltmp0:
0x84: {  	_ =	swait.ge [sflag:s0], $0x2800;
	(pc) =	sbr.rel @p0 .LBB2_2-.Ltmp0, $4  }
0x85: {  	[sflag:s0] =	ssyncset.done $0x0  }
0x86: {  	s8 =	sadd.s32 $0xF00, s9;
	[sflag:s0] =	ssyncadd.s32 $0xFFFFD800  }
0x87: {  	[hbm4b:s8+s3] =	stream.linear.scatter [tilespmem:s22], [sflag:$0x6], $0x2800, $0x38;
	[tilespmem:$0xEF00] =	vst v63  }
0x88: {  	s7 =	sadd.s32 $0xA00, s7;
	s6 =	sadd.s32 $0xA00, s6;
	s8 =	sadd.s32 $0xF00, s11  }
0x89: {  	[hbm4b:s8+s3] =	stream.linear.scatter [tilespmem:s24], [sflag:$0x8], $0x2800, $0x38;
	[tilespmem:$0xEF00] =	vst v63  }
0x8a: {  	_ =	swait.ge [sflag:s25], $0x2800  }
0x8b: {  	[sflag:s25] =	ssyncset.done $0x0  }
0x8c: {  	[sflag:s25] =	ssyncadd.s32 $0xFFFFD800  }
0x8d: {  	_ =	swait.ge [sflag:s26], $0x2800  }
0x8e: {  	[sflag:s26] =	ssyncset.done $0x0  }
0x8f: {  	[sflag:s26] =	ssyncadd.s32 $0xFFFFD800  }
0x90: {  	_ =	swait.ge [sflag:s23], $0x2800  }
0x91: {  	[sflag:s23] =	ssyncset.done $0x0  }
0x92: {  	[sflag:s23] =	ssyncadd.s32 $0xFFFFD800  }
0x93: {  	_ =	swait.ge [sflag:s30], $0x2800  }
0x94: {  	[sflag:s30] =	ssyncset.done $0x0  }
0x95: {  	s5 =	rddreg [dreg:$0x5];
	[sflag:s30] =	ssyncadd.s32 $0xFFFFD800  }
0x96: {  	[hbm4b:s5+s3] =	stream.linear.scatter [tilespmem:s20], [sflag:$0x5], $0x2800, $0x38;
	[tilespmem:$0xEF00] =	vst v63  }
0x97: {  	s10 =	rddreg [dreg:$0x6]  }
0x98: {  	[hbm4b:s10+s3] =	stream.linear.scatter [tilespmem:s21], [sflag:$0x7], $0x2800, $0x38;
	[tilespmem:$0xEF00] =	vst v63  }
0x99: {  	_ =	swait.ge [sflag:s28], $0x2800  }
0x9a: {  	[sflag:s28] =	ssyncset.done $0x0  }
0x9b: {  	[sflag:s28] =	ssyncadd.s32 $0xFFFFD800  }
0x9c: {  	_ =	swait.ge [sflag:s29], $0x2800  }
0x9d: {  	s31 =	sadd.s32 $0x1, s31;
	s11 =	rddreg [dreg:$0x7]  }
0x9e: {  	p0 =	sne.s32 s31, s11  }
.Ltmp1:
0x9f: {  	_ = 	snop;
	(pc) =	sbr.rel @p0 .LBB2_1-.Ltmp1, $3  }
0xa0: {  	_ =	sdelay $0x1  }
0xa1: {  	[sflag:s29] =	ssyncset.done $0x0  }
0xa2: {  	[sflag:s29] =	ssyncadd.s32 $0xFFFFD800  }
0xa3: {  	_ =	sfence.sel $0x180000  }
0xa4: {  	[bflag:$0x0] =	sbarrier.arrive $0xFFFF  }
0xa5: {  	_ =	strace $0x90000047  }
0xa6: {  	s0 =	stileid.u32;
	[bflag:$0x2] =	sbarrier.arrive $0xFFFF  }
0xa7: {  	p0 =	sne.s32 s0, $0x0;
	s0 =	rddreg [dreg:$0x2]  }
0xa8: {  	s0 =	sadd.s32 @!p0 $0x100000, s0  }
0xa9: {  	[sflag:s0] =	ssyncadd.tile.s32 @!p0 $0x1;
	_ =	shalt  }
.Lfunc_end2:
_tile_overlayer_lowered:
.L_overlay_start_2:
0xaa: {  	(tag) =	ssettag $0x2  }
0xab: {  	s0 =	rddreg [dreg:$0x0];
	s2 =	stileid.u32  }
0xac: {  	s1 =	rddreg [dreg:$0x1];
	p0 =	sne.s32 s2, $0x0  }
0xad: {  	s3 =	rddreg [dreg:$0x2];
	[bflag:$0x3] =	sbarrier.arrive $0xFFFF;
	s2 =	simm.s32 @!p0 $0x1C09  }
0xae: {  	[timem:s3], [sflag:s2] =	dma.local @!p0 [hbm:s0], s1  }
0xaf: {  	s0 =	simm.s32 @!p0 $0x9  }
0xb0: {  	_ =	swait.ge @!p0 [sflag:s0], s1  }
0xb1: {  	s1 =	ssub.s32 @!p0 $0x0, s1;
	[sflag:s0] =	ssyncset.done @!p0 $0x0  }
0xb2: {  	[sflag:s0] =	ssyncadd.s32 @!p0 s1  }
0xb3: {  	[bflag:$0x3] =	sbarrier.arrive $0xFFFF  }
0xb4: {  	_ =	shalt  }

</sc_bundles>
